<compile_context>
chip_gen: v7x
topology: tpu7x:2x2x1
jax: 0.10.2.dev20260603
libtpu: 0.0.44.dev20260713+nightly
codegen_flags: <defaults>
</compile_context>

<pallas_src>
import functools

import jax
import jax.numpy as jnp
from jax import lax
from jax.experimental import pallas as pl
from jax.experimental.pallas import tpu as pltpu
from jax.experimental.pallas import tpu_sc as plsc

NC = 2
NS = 16
NW = NC * NS
CHUNK = 128
DW = 128

_mesh = plsc.VectorSubcoreMesh(core_axis_name="c", subcore_axis_name="s")


def _make_deg_kernel(np_rows, cpt):
    rpt = np_rows // NS

    @functools.partial(
        pl.kernel,
        out_type=jax.ShapeDtypeStruct((NC, np_rows, DW), jnp.float32),
        mesh=_mesh,
        scratch_types=[
            pltpu.VMEM((CHUNK,), jnp.int32),
            pltpu.VMEM((CHUNK, DW), jnp.float32),
            pltpu.VMEM_SHARED((np_rows, DW), jnp.float32),
            pltpu.SemaphoreType.DMA,
        ],
    )
    def deg_kernel(dstp_hbm, ones_hbm, zeros_hbm, out_hbm, idx_v, ones_v, acc_sh, sem):
        c = lax.axis_index("c")
        s = lax.axis_index("s")
        wid = s * NC + c
        base = wid * cpt
        pltpu.sync_copy(zeros_hbm.at[pl.ds(s * rpt, rpt)], acc_sh.at[pl.ds(s * rpt, rpt)])
        pltpu.sync_copy(ones_hbm, ones_v)
        plsc.subcore_barrier()

        def body(j, carry):
            pltpu.sync_copy(dstp_hbm.at[pl.ds((base + j) * CHUNK, CHUNK)], idx_v)
            pltpu.sync_copy(ones_v, acc_sh.at[idx_v], add=True)
            return carry

        lax.fori_loop(0, cpt, body, 0)
        plsc.subcore_barrier()
        pltpu.sync_copy(acc_sh.at[pl.ds(s * rpt, rpt)], out_hbm.at[c, pl.ds(s * rpt, rpt)])

    return deg_kernel


def _make_agg_kernel(np_rows, cpt, d):
    rpt = np_rows // NS

    @functools.partial(
        pl.kernel,
        out_type=jax.ShapeDtypeStruct((NC, np_rows, d), jnp.float32),
        mesh=_mesh,
        scratch_types=[
            pltpu.VMEM((CHUNK,), jnp.int32),
            pltpu.VMEM((CHUNK,), jnp.int32),
            pltpu.VMEM((CHUNK,), jnp.int32),
            pltpu.VMEM((CHUNK,), jnp.int32),
            pltpu.VMEM((CHUNK, d), jnp.float32),
            pltpu.VMEM((CHUNK, d), jnp.float32),
            pltpu.VMEM_SHARED((np_rows, d), jnp.float32),
            pltpu.SemaphoreType.DMA,
            pltpu.SemaphoreType.DMA,
        ],
    )
    def agg_kernel(h_hbm, srcp_hbm, dstp_hbm, zeros_hbm, out_hbm,
                   src0, src1, didx0, didx1, buf0, buf1, acc_sh, sem0, sem1):
        c = lax.axis_index("c")
        s = lax.axis_index("s")
        wid = s * NC + c
        base = wid * cpt
        pltpu.sync_copy(zeros_hbm.at[pl.ds(s * rpt, rpt)], acc_sh.at[pl.ds(s * rpt, rpt)])
        plsc.subcore_barrier()

        pltpu.sync_copy(srcp_hbm.at[pl.ds(base * CHUNK, CHUNK)], src0)
        pltpu.async_copy(h_hbm.at[src0], buf0, sem0)
        pltpu.sync_copy(srcp_hbm.at[pl.ds((base + 1) * CHUNK, CHUNK)], src1)
        pltpu.async_copy(h_hbm.at[src1], buf1, sem1)

        def body(t, carry):
            j = 2 * t
            pltpu.make_async_copy(h_hbm.at[src0], buf0, sem0).wait()
            pltpu.sync_copy(dstp_hbm.at[pl.ds((base + j) * CHUNK, CHUNK)], didx0)
            pltpu.sync_copy(buf0, acc_sh.at[didx0], add=True)

            @pl.when(j + 2 < cpt)
            def _():
                pltpu.sync_copy(srcp_hbm.at[pl.ds((base + j + 2) * CHUNK, CHUNK)], src0)
                pltpu.async_copy(h_hbm.at[src0], buf0, sem0)

            pltpu.make_async_copy(h_hbm.at[src1], buf1, sem1).wait()
            pltpu.sync_copy(dstp_hbm.at[pl.ds((base + j + 1) * CHUNK, CHUNK)], didx1)
            pltpu.sync_copy(buf1, acc_sh.at[didx1], add=True)

            @pl.when(j + 3 < cpt)
            def _():
                pltpu.sync_copy(srcp_hbm.at[pl.ds((base + j + 3) * CHUNK, CHUNK)], src1)
                pltpu.async_copy(h_hbm.at[src1], buf1, sem1)

            return carry

        lax.fori_loop(0, cpt // 2, body, 0)
        plsc.subcore_barrier()
        pltpu.sync_copy(acc_sh.at[pl.ds(s * rpt, rpt)], out_hbm.at[c, pl.ds(s * rpt, rpt)])

    return agg_kernel


def _tc_first(deg2, x, w1, br):
    n, d = x.shape

    def body(deg_ref, x_ref, w_ref, h_ref, d_ref):
        deg = deg_ref[0, :, :1] + deg_ref[1, :, :1] + 1.0
        dis = lax.rsqrt(deg)
        h_ref[...] = jnp.dot(x_ref[...] * dis, w_ref[...],
                             preferred_element_type=jnp.float32)
        d_ref[...] = jnp.broadcast_to(dis, (br, 8))

    return pl.pallas_call(
        body,
        grid=(n // br,),
        in_specs=[
            pl.BlockSpec((NC, br, DW), lambda i: (0, i, 0)),
            pl.BlockSpec((br, d), lambda i: (i, 0)),
            pl.BlockSpec((d, d), lambda i: (0, 0)),
        ],
        out_specs=[
            pl.BlockSpec((br, d), lambda i: (i, 0)),
            pl.BlockSpec((br, 8), lambda i: (i, 0)),
        ],
        out_shape=[
            jax.ShapeDtypeStruct((n, d), jnp.float32),
            jax.ShapeDtypeStruct((n, 8), jnp.float32),
        ],
    )(deg2, x, w1)


def _tc_mid(acc, h1s, d8, b1, w2, br):
    n, d = h1s.shape

    def body2(acc_ref, h_ref, d_ref, b_ref, w_ref, out_ref):
        agg = acc_ref[0] + acc_ref[1] + h_ref[...]
        dis = d_ref[:, :1]
        t = jnp.maximum(agg * dis + b_ref[...], 0.0) * dis
        out_ref[...] = jnp.dot(t, w_ref[...], preferred_element_type=jnp.float32)

    return pl.pallas_call(
        body2,
        grid=(n // br,),
        in_specs=[
            pl.BlockSpec((NC, br, d), lambda i: (0, i, 0)),
            pl.BlockSpec((br, d), lambda i: (i, 0)),
            pl.BlockSpec((br, 8), lambda i: (i, 0)),
            pl.BlockSpec((1, d), lambda i: (0, 0)),
            pl.BlockSpec((d, d), lambda i: (0, 0)),
        ],
        out_specs=pl.BlockSpec((br, d), lambda i: (i, 0)),
        out_shape=jax.ShapeDtypeStruct((n, d), jnp.float32),
    )(acc, h1s, d8, b1, w2)


def _tc_last(acc, h2s, d8, b2, br):
    n, d = h2s.shape

    def body(acc_ref, h_ref, d_ref, b_ref, out_ref):
        agg = acc_ref[0] + acc_ref[1] + h_ref[...]
        out_ref[...] = agg * d_ref[:, :1] + b_ref[...]

    return pl.pallas_call(
        body,
        grid=(n // br,),
        in_specs=[
            pl.BlockSpec((NC, br, d), lambda i: (0, i, 0)),
            pl.BlockSpec((br, d), lambda i: (i, 0)),
            pl.BlockSpec((br, 8), lambda i: (i, 0)),
            pl.BlockSpec((1, d), lambda i: (0, 0)),
        ],
        out_specs=pl.BlockSpec((br, d), lambda i: (i, 0)),
        out_shape=jax.ShapeDtypeStruct((n, d), jnp.float32),
    )(acc, h2s, d8, b2)


def kernel(x, edge_index, W1, b1, W2, b2):
    n, d = x.shape
    e = edge_index.shape[1]
    cpt = -(-(-(-e // (NW * CHUNK))) // 2) * 2
    ep = NW * CHUNK * cpt
    np_rows = -(-(n + 1) // (NS * 8)) * (NS * 8)
    br = 400

    ei = edge_index.astype(jnp.int32)
    pad = ep - e
    pad_dst = n + jax.lax.iota(jnp.int32, pad) % (np_rows - n)
    srcp = jnp.concatenate([ei[0], jnp.zeros((pad,), jnp.int32)])
    dstp = jnp.concatenate([ei[1], pad_dst])

    zeros = jnp.zeros((np_rows, d), jnp.float32)
    zeros8 = jnp.zeros((np_rows, DW), jnp.float32)
    ones8 = jnp.ones((CHUNK, DW), jnp.float32)

    deg_k = _make_deg_kernel(np_rows, cpt)
    agg_k = _make_agg_kernel(np_rows, cpt, d)

    deg2 = deg_k(dstp, ones8, zeros8)
    h1s, d8 = _tc_first(deg2, x, W1, br)
    acc1 = agg_k(h1s, srcp, dstp, zeros)
    h2s = _tc_mid(acc1, h1s, d8, b1.reshape(1, d), W2, br)
    acc2 = agg_k(h2s, srcp, dstp, zeros)
    out = _tc_last(acc2, h2s, d8, b2.reshape(1, d), br)
    return out

# --- scband reference (transcript-rebuilt; emitter-appended) ---
"""Pipeline reference for scband-gcn-21002390077614 (READ-ONLY COPY).

The authoritative reference and input builder live on the scoring server;
editing this copy changes nothing except your own understanding.
"""

import jax, jax.numpy as jnp
import numpy as np

N_NODES = 10000
N_EDGES = 320000
D_IN = 128
D_HID = 128
D_OUT = 128


def gcn_conv(x, edge_index, W, b, num_nodes):
    # GCNConv with add_self_loops=True and symmetric normalization (PyG semantics)
    src = edge_index[0]
    dst = edge_index[1]
    loop = jnp.arange(num_nodes, dtype=src.dtype)
    src = jnp.concatenate([src, loop])
    dst = jnp.concatenate([dst, loop])
    edge_weight = jnp.ones(src.shape[0], dtype=x.dtype)
    # degree computed on destination nodes (scatter-add)
    deg = jnp.zeros((num_nodes,), dtype=x.dtype).at[dst].add(edge_weight)
    deg_inv_sqrt = jnp.where(deg > 0, deg ** -0.5, 0.0)
    norm = deg_inv_sqrt[src] * edge_weight * deg_inv_sqrt[dst]
    # linear transform then propagate (gather from src, scatter-add to dst)
    h = x @ W
    msg = h[src] * norm[:, None]
    out = jnp.zeros((num_nodes, h.shape[1]), dtype=h.dtype).at[dst].add(msg)
    return out + b


def setup_inputs(seed: int = 0) -> dict:
    key = jax.random.key(seed)
    k_x, k_e, k_w1, k_b1, k_w2, k_b2 = jax.random.split(key, 6)
    x = jax.random.normal(k_x, (N_NODES, D_IN), dtype=jnp.float32)
    edge_index = jax.random.randint(k_e, (2, N_EDGES), 0, N_NODES, dtype=jnp.int64)
    # Glorot-style init for GCN weights, zeros for bias (PyG defaults)
    W1 = jax.random.normal(k_w1, (D_IN, D_HID), dtype=jnp.float32) * (2.0 / (D_IN + D_HID)) ** 0.5
    b1 = jnp.zeros((D_HID,), dtype=jnp.float32)
    W2 = jax.random.normal(k_w2, (D_HID, D_OUT), dtype=jnp.float32) * (2.0 / (D_HID + D_OUT)) ** 0.5
    b2 = jnp.zeros((D_OUT,), dtype=jnp.float32)
    return {"x": x, "edge_index": edge_index, "W1": W1, "b1": b1, "W2": W2, "b2": b2}


def reference(x, edge_index, W1, b1, W2, b2):
    h = gcn_conv(x, edge_index, W1, b1, N_NODES)
    h = jax.nn.relu(h)
    out = gcn_conv(h, edge_index, W2, b2, N_NODES)
    return out

if __name__ == "__main__":
    import jax
    _d = setup_inputs()
    print(jax.jit(kernel)(*tuple(_d.values())))

</pallas_src>

<mosaic_0001>
#map = affine_map<(d0, d1) -> (0, 0)>
#map1 = affine_map<(d0, d1) -> (0)>
#map2 = affine_map<(d0, d1) -> (0, 0, 0)>
module attributes {stable_mosaic.version = 14 : i64} {
  func.func @agg_kernel(%arg0: i32, %arg1: i32, %arg2: memref<10000x128xf32, #tpu.memory_space<hbm>>, %arg3: memref<327680xi32, #tpu.memory_space<hbm>>, %arg4: memref<327680xi32, #tpu.memory_space<hbm>>, %arg5: memref<10112x128xf32, #tpu.memory_space<hbm>>, %arg6: memref<2x10112x128xf32, #tpu.memory_space<hbm>>, %arg7: memref<128xi32, #tpu.memory_space<vmem>>, %arg8: memref<128xi32, #tpu.memory_space<vmem>>, %arg9: memref<128xi32, #tpu.memory_space<vmem>>, %arg10: memref<128xi32, #tpu.memory_space<vmem>>, %arg11: memref<128x128xf32, #tpu.memory_space<vmem>>, %arg12: memref<128x128xf32, #tpu.memory_space<vmem>>, %arg13: memref<10112x128xf32, #tpu.memory_space<vmem_shared>>, %arg14: memref<!tpu.dma_semaphore, #tpu.memory_space<semaphore_mem>>, %arg15: memref<!tpu.dma_semaphore, #tpu.memory_space<semaphore_mem>>) attributes {dimension_semantics = [#tpu.dimension_semantics<core_parallel>, #tpu.dimension_semantics<subcore_parallel>], iteration_bounds = array<i64: 2, 16>, scalar_prefetch = 0 : i64, scratch_operands = 9 : i64, tpu.core_type = #tpu.core_type<sc_vector_subcore>, window_params = [{transform_indices = #map}, {transform_indices = #map1}, {transform_indices = #map1}, {transform_indices = #map}, {transform_indices = #map2}]} {
    %mul3A = arith.constant 2 : i32
    %mul3A_0 = arith.muli %arg1, %mul3A : i32
    %add3A = arith.addi %mul3A_0, %arg0 : i32
    %mul3A_1 = arith.constant 80 : i32
    %mul3A_2 = arith.muli %add3A, %mul3A_1 : i32
    %mul3A_3 = arith.constant 632 : i32
    %mul3A_4 = arith.muli %arg1, %mul3A_3 : i32
    %mul3A_5 = arith.constant 632 : i32
    %mul3A_6 = arith.muli %arg1, %mul3A_5 : i32
    "tpu.region"() ({
      %run_scoped3A = tpu.sem_alloc : memref<!tpu.dma_semaphore, #tpu.memory_space<semaphore_mem>>
      %dma_start3A_28 = arith.constant 0 : i32
      %dma_start3A_29 = tpu.memref_slice %arg13[%mul3A_6, %dma_start3A_28] : memref<10112x128xf32, #tpu.memory_space<vmem_shared>> -> memref<632x128xf32, #tpu.memory_space<vmem_shared>>
      %dma_start3A_30 = arith.constant 0 : i32
      %dma_start3A_31 = tpu.memref_slice %arg5[%mul3A_4, %dma_start3A_30] : memref<10112x128xf32, #tpu.memory_space<hbm>> -> memref<632x128xf32, #tpu.memory_space<hbm>>
      tpu.enqueue_dma source(%dma_start3A_31 : memref<632x128xf32, #tpu.memory_space<hbm>>) target(%dma_start3A_29 : memref<632x128xf32, #tpu.memory_space<vmem_shared>>) target_semaphore(%run_scoped3A : memref<!tpu.dma_semaphore, #tpu.memory_space<semaphore_mem>>)
      %dma_wait3A = arith.constant 0 : i32
      %dma_wait3A_32 = tpu.memref_slice %arg13[%mul3A_6, %dma_wait3A] : memref<10112x128xf32, #tpu.memory_space<vmem_shared>> -> memref<632x128xf32, #tpu.memory_space<vmem_shared>>
      %dma_wait3A_33 = arith.constant 0 : i32
      %dma_wait3A_34 = tpu.memref_slice %arg5[%mul3A_4, %dma_wait3A_33] : memref<10112x128xf32, #tpu.memory_space<hbm>> -> memref<632x128xf32, #tpu.memory_space<hbm>>
      tpu.wait_dma2 semaphore(%run_scoped3A : memref<!tpu.dma_semaphore, #tpu.memory_space<semaphore_mem>>) src(%dma_wait3A_34 : memref<632x128xf32, #tpu.memory_space<hbm>>) dst(%dma_wait3A_32 : memref<632x128xf32, #tpu.memory_space<vmem_shared>>)
      tpu.yield
    }) : () -> ()
    %barrier3A = arith.constant 0 : index
    tpu.barrier barrier_id(%barrier3A)
    %mul3A_7 = arith.constant 128 : i32
    %mul3A_8 = arith.muli %mul3A_2, %mul3A_7 : i32
    "tpu.region"() ({
      %run_scoped3A = tpu.sem_alloc : memref<!tpu.dma_semaphore, #tpu.memory_space<semaphore_mem>>
      %dma_start3A_28 = tpu.memref_slice %arg3[%mul3A_8] : memref<327680xi32, #tpu.memory_space<hbm>> -> memref<128xi32, #tpu.memory_space<hbm>>
      %dma_start3A_29 = tpu.memref_slice %arg3[%mul3A_8] : memref<327680xi32, #tpu.memory_space<hbm>> -> memref<128xi32, #tpu.memory_space<hbm>>
      tpu.enqueue_dma source(%dma_start3A_29 : memref<128xi32, #tpu.memory_space<hbm>>) target(%arg7 : memref<128xi32, #tpu.memory_space<vmem>>) target_semaphore(%run_scoped3A : memref<!tpu.dma_semaphore, #tpu.memory_space<semaphore_mem>>)
      %dma_wait3A = tpu.memref_slice %arg3[%mul3A_8] : memref<327680xi32, #tpu.memory_space<hbm>> -> memref<128xi32, #tpu.memory_space<hbm>>
      %dma_wait3A_30 = tpu.memref_slice %arg3[%mul3A_8] : memref<327680xi32, #tpu.memory_space<hbm>> -> memref<128xi32, #tpu.memory_space<hbm>>
      tpu.wait_dma2 semaphore(%run_scoped3A : memref<!tpu.dma_semaphore, #tpu.memory_space<semaphore_mem>>) src(%dma_wait3A_30 : memref<128xi32, #tpu.memory_space<hbm>>) dst(%arg7 : memref<128xi32, #tpu.memory_space<vmem>>)
      tpu.yield
    }) : () -> ()
    %dma_start3A = arith.constant 0 : i32
    %dma_start3A_9 = arith.constant 0 : i32
    %dma_start3A_10 = tpu.memref_slice %arg2[%dma_start3A, %dma_start3A_9] : memref<10000x128xf32, #tpu.memory_space<hbm>> -> memref<10000x128xf32, #tpu.memory_space<hbm>>
    tpu.enqueue_indirect_dma source(%dma_start3A_10 : memref<10000x128xf32, #tpu.memory_space<hbm>>) target(%arg11 : memref<128x128xf32, #tpu.memory_space<vmem>>) offsets(%arg7 : memref<128xi32, #tpu.memory_space<vmem>>) semaphore(%arg14 : memref<!tpu.dma_semaphore, #tpu.memory_space<semaphore_mem>>)
    %add3A_11 = arith.constant 1 : i32
    %add3A_12 = arith.addi %mul3A_2, %add3A_11 : i32
    %mul3A_13 = arith.constant 128 : i32
    %mul3A_14 = arith.muli %add3A_12, %mul3A_13 : i32
    "tpu.region"() ({
      %run_scoped3A = tpu.sem_alloc : memref<!tpu.dma_semaphore, #tpu.memory_space<semaphore_mem>>
      %dma_start3A_28 = tpu.memref_slice %arg3[%mul3A_14] : memref<327680xi32, #tpu.memory_space<hbm>> -> memref<128xi32, #tpu.memory_space<hbm>>
      %dma_start3A_29 = tpu.memref_slice %arg3[%mul3A_14] : memref<327680xi32, #tpu.memory_space<hbm>> -> memref<128xi32, #tpu.memory_space<hbm>>
      tpu.enqueue_dma source(%dma_start3A_29 : memref<128xi32, #tpu.memory_space<hbm>>) target(%arg8 : memref<128xi32, #tpu.memory_space<vmem>>) target_semaphore(%run_scoped3A : memref<!tpu.dma_semaphore, #tpu.memory_space<semaphore_mem>>)
      %dma_wait3A = tpu.memref_slice %arg3[%mul3A_14] : memref<327680xi32, #tpu.memory_space<hbm>> -> memref<128xi32, #tpu.memory_space<hbm>>
      %dma_wait3A_30 = tpu.memref_slice %arg3[%mul3A_14] : memref<327680xi32, #tpu.memory_space<hbm>> -> memref<128xi32, #tpu.memory_space<hbm>>
      tpu.wait_dma2 semaphore(%run_scoped3A : memref<!tpu.dma_semaphore, #tpu.memory_space<semaphore_mem>>) src(%dma_wait3A_30 : memref<128xi32, #tpu.memory_space<hbm>>) dst(%arg8 : memref<128xi32, #tpu.memory_space<vmem>>)
      tpu.yield
    }) : () -> ()
    %dma_start3A_15 = arith.constant 0 : i32
    %dma_start3A_16 = arith.constant 0 : i32
    %dma_start3A_17 = tpu.memref_slice %arg2[%dma_start3A_15, %dma_start3A_16] : memref<10000x128xf32, #tpu.memory_space<hbm>> -> memref<10000x128xf32, #tpu.memory_space<hbm>>
    tpu.enqueue_indirect_dma source(%dma_start3A_17 : memref<10000x128xf32, #tpu.memory_space<hbm>>) target(%arg12 : memref<128x128xf32, #tpu.memory_space<vmem>>) offsets(%arg8 : memref<128xi32, #tpu.memory_space<vmem>>) semaphore(%arg15 : memref<!tpu.dma_semaphore, #tpu.memory_space<semaphore_mem>>)
    %scan3A = arith.constant 0 : i32
    %scan3A_18 = arith.constant 0 : i32
    %scan3A_19 = arith.constant 40 : i32
    %scan3A_20 = arith.addi %scan3A_18, %scan3A_19 : i32
    %scan3A_21 = arith.constant 1 : i32
    scf.for %scan3A_28 = %scan3A_18 to %scan3A_20 step %scan3A_21  : i32 {
      %mul3A_29 = arith.constant 2 : i32
      %mul3A_30 = arith.muli %mul3A_29, %scan3A_28 : i32
      %dma_wait3A = arith.constant 0 : i32
      %dma_wait3A_31 = arith.constant 0 : i32
      %dma_wait3A_32 = tpu.memref_slice %arg2[%dma_wait3A, %dma_wait3A_31] : memref<10000x128xf32, #tpu.memory_space<hbm>> -> memref<10000x128xf32, #tpu.memory_space<hbm>>
      tpu.wait_indirect_dma semaphore(%arg14 : memref<!tpu.dma_semaphore, #tpu.memory_space<semaphore_mem>>) src(%dma_wait3A_32 : memref<10000x128xf32, #tpu.memory_space<hbm>>) dst(%arg11 : memref<128x128xf32, #tpu.memory_space<vmem>>)
      %add3A_33 = arith.addi %mul3A_2, %mul3A_30 : i32
      %mul3A_34 = arith.constant 128 : i32
      %mul3A_35 = arith.muli %add3A_33, %mul3A_34 : i32
      "tpu.region"() ({
        %run_scoped3A = tpu.sem_alloc : memref<!tpu.dma_semaphore, #tpu.memory_space<semaphore_mem>>
        %dma_start3A_55 = tpu.memref_slice %arg4[%mul3A_35] : memref<327680xi32, #tpu.memory_space<hbm>> -> memref<128xi32, #tpu.memory_space<hbm>>
        %dma_start3A_56 = tpu.memref_slice %arg4[%mul3A_35] : memref<327680xi32, #tpu.memory_space<hbm>> -> memref<128xi32, #tpu.memory_space<hbm>>
        tpu.enqueue_dma source(%dma_start3A_56 : memref<128xi32, #tpu.memory_space<hbm>>) target(%arg9 : memref<128xi32, #tpu.memory_space<vmem>>) target_semaphore(%run_scoped3A : memref<!tpu.dma_semaphore, #tpu.memory_space<semaphore_mem>>)
        %dma_wait3A_57 = tpu.memref_slice %arg4[%mul3A_35] : memref<327680xi32, #tpu.memory_space<hbm>> -> memref<128xi32, #tpu.memory_space<hbm>>
        %dma_wait3A_58 = tpu.memref_slice %arg4[%mul3A_35] : memref<327680xi32, #tpu.memory_space<hbm>> -> memref<128xi32, #tpu.memory_space<hbm>>
        tpu.wait_dma2 semaphore(%run_scoped3A : memref<!tpu.dma_semaphore, #tpu.memory_space<semaphore_mem>>) src(%dma_wait3A_58 : memref<128xi32, #tpu.memory_space<hbm>>) dst(%arg9 : memref<128xi32, #tpu.memory_space<vmem>>)
        tpu.yield
      }) : () -> ()
      "tpu.region"() ({
        %run_scoped3A = tpu.sem_alloc : memref<!tpu.dma_semaphore, #tpu.memory_space<semaphore_mem>>
        %dma_start3A_55 = arith.constant 0 : i32
        %dma_start3A_56 = arith.constant 0 : i32
        %dma_start3A_57 = tpu.memref_slice %arg13[%dma_start3A_55, %dma_start3A_56] : memref<10112x128xf32, #tpu.memory_space<vmem_shared>> -> memref<10112x128xf32, #tpu.memory_space<vmem_shared>>
        tpu.enqueue_indirect_dma source(%arg11 : memref<128x128xf32, #tpu.memory_space<vmem>>) target(%dma_start3A_57 : memref<10112x128xf32, #tpu.memory_space<vmem_shared>>) offsets(%arg9 : memref<128xi32, #tpu.memory_space<vmem>>) semaphore(%run_scoped3A : memref<!tpu.dma_semaphore, #tpu.memory_space<semaphore_mem>>) {add = true}
        %dma_wait3A_58 = arith.constant 0 : i32
        %dma_wait3A_59 = arith.constant 0 : i32
        %dma_wait3A_60 = tpu.memref_slice %arg13[%dma_wait3A_58, %dma_wait3A_59] : memref<10112x128xf32, #tpu.memory_space<vmem_shared>> -> memref<10112x128xf32, #tpu.memory_space<vmem_shared>>
        tpu.wait_indirect_dma semaphore(%run_scoped3A : memref<!tpu.dma_semaphore, #tpu.memory_space<semaphore_mem>>) src(%arg11 : memref<128x128xf32, #tpu.memory_space<vmem>>) dst(%dma_wait3A_60 : memref<10112x128xf32, #tpu.memory_space<vmem_shared>>)
        tpu.yield
      }) : () -> ()
      %add3A_36 = arith.constant 2 : i32
      %add3A_37 = arith.addi %mul3A_30, %add3A_36 : i32
      %lt3A = arith.constant 80 : i32
      %lt3A_38 = arith.cmpi slt, %add3A_37, %lt3A : i32
      %convert_element_type3A = arith.extui %lt3A_38 : i1 to i32
      %cond3A = arith.constant 0 : i32
      %cond3A_39 = arith.cmpi ne, %convert_element_type3A, %cond3A : i32
      scf.if %cond3A_39 {
        %add3A_55 = arith.addi %mul3A_2, %mul3A_30 : i32
        %add3A_56 = arith.constant 2 : i32
        %add3A_57 = arith.addi %add3A_55, %add3A_56 : i32
        %mul3A_58 = arith.constant 128 : i32
        %mul3A_59 = arith.muli %add3A_57, %mul3A_58 : i32
        "tpu.region"() ({
          %run_scoped3A = tpu.sem_alloc : memref<!tpu.dma_semaphore, #tpu.memory_space<semaphore_mem>>
          %dma_start3A_63 = tpu.memref_slice %arg3[%mul3A_59] : memref<327680xi32, #tpu.memory_space<hbm>> -> memref<128xi32, #tpu.memory_space<hbm>>
          %dma_start3A_64 = tpu.memref_slice %arg3[%mul3A_59] : memref<327680xi32, #tpu.memory_space<hbm>> -> memref<128xi32, #tpu.memory_space<hbm>>
          tpu.enqueue_dma source(%dma_start3A_64 : memref<128xi32, #tpu.memory_space<hbm>>) target(%arg7 : memref<128xi32, #tpu.memory_space<vmem>>) target_semaphore(%run_scoped3A : memref<!tpu.dma_semaphore, #tpu.memory_space<semaphore_mem>>)
          %dma_wait3A_65 = tpu.memref_slice %arg3[%mul3A_59] : memref<327680xi32, #tpu.memory_space<hbm>> -> memref<128xi32, #tpu.memory_space<hbm>>
          %dma_wait3A_66 = tpu.memref_slice %arg3[%mul3A_59] : memref<327680xi32, #tpu.memory_space<hbm>> -> memref<128xi32, #tpu.memory_space<hbm>>
          tpu.wait_dma2 semaphore(%run_scoped3A : memref<!tpu.dma_semaphore, #tpu.memory_space<semaphore_mem>>) src(%dma_wait3A_66 : memref<128xi32, #tpu.memory_space<hbm>>) dst(%arg7 : memref<128xi32, #tpu.memory_space<vmem>>)
          tpu.yield
        }) : () -> ()
        %dma_start3A_60 = arith.constant 0 : i32
        %dma_start3A_61 = arith.constant 0 : i32
        %dma_start3A_62 = tpu.memref_slice %arg2[%dma_start3A_60, %dma_start3A_61] : memref<10000x128xf32, #tpu.memory_space<hbm>> -> memref<10000x128xf32, #tpu.memory_space<hbm>>
        tpu.enqueue_indirect_dma source(%dma_start3A_62 : memref<10000x128xf32, #tpu.memory_space<hbm>>) target(%arg11 : memref<128x128xf32, #tpu.memory_space<vmem>>) offsets(%arg7 : memref<128xi32, #tpu.memory_space<vmem>>) semaphore(%arg14 : memref<!tpu.dma_semaphore, #tpu.memory_space<semaphore_mem>>)
      } else {
      }
      %dma_wait3A_40 = arith.constant 0 : i32
      %dma_wait3A_41 = arith.constant 0 : i32
      %dma_wait3A_42 = tpu.memref_slice %arg2[%dma_wait3A_40, %dma_wait3A_41] : memref<10000x128xf32, #tpu.memory_space<hbm>> -> memref<10000x128xf32, #tpu.memory_space<hbm>>
      tpu.wait_indirect_dma semaphore(%arg15 : memref<!tpu.dma_semaphore, #tpu.memory_space<semaphore_mem>>) src(%dma_wait3A_42 : memref<10000x128xf32, #tpu.memory_space<hbm>>) dst(%arg12 : memref<128x128xf32, #tpu.memory_space<vmem>>)
      %add3A_43 = arith.addi %mul3A_2, %mul3A_30 : i32
      %add3A_44 = arith.constant 1 : i32
      %add3A_45 = arith.addi %add3A_43, %add3A_44 : i32
      %mul3A_46 = arith.constant 128 : i32
      %mul3A_47 = arith.muli %add3A_45, %mul3A_46 : i32
      "tpu.region"() ({
        %run_scoped3A = tpu.sem_alloc : memref<!tpu.dma_semaphore, #tpu.memory_space<semaphore_mem>>
        %dma_start3A_55 = tpu.memref_slice %arg4[%mul3A_47] : memref<327680xi32, #tpu.memory_space<hbm>> -> memref<128xi32, #tpu.memory_space<hbm>>
        %dma_start3A_56 = tpu.memref_slice %arg4[%mul3A_47] : memref<327680xi32, #tpu.memory_space<hbm>> -> memref<128xi32, #tpu.memory_space<hbm>>
        tpu.enqueue_dma source(%dma_start3A_56 : memref<128xi32, #tpu.memory_space<hbm>>) target(%arg10 : memref<128xi32, #tpu.memory_space<vmem>>) target_semaphore(%run_scoped3A : memref<!tpu.dma_semaphore, #tpu.memory_space<semaphore_mem>>)
        %dma_wait3A_57 = tpu.memref_slice %arg4[%mul3A_47] : memref<327680xi32, #tpu.memory_space<hbm>> -> memref<128xi32, #tpu.memory_space<hbm>>
        %dma_wait3A_58 = tpu.memref_slice %arg4[%mul3A_47] : memref<327680xi32, #tpu.memory_space<hbm>> -> memref<128xi32, #tpu.memory_space<hbm>>
        tpu.wait_dma2 semaphore(%run_scoped3A : memref<!tpu.dma_semaphore, #tpu.memory_space<semaphore_mem>>) src(%dma_wait3A_58 : memref<128xi32, #tpu.memory_space<hbm>>) dst(%arg10 : memref<128xi32, #tpu.memory_space<vmem>>)
        tpu.yield
      }) : () -> ()
      "tpu.region"() ({
        %run_scoped3A = tpu.sem_alloc : memref<!tpu.dma_semaphore, #tpu.memory_space<semaphore_mem>>
        %dma_start3A_55 = arith.constant 0 : i32
        %dma_start3A_56 = arith.constant 0 : i32
        %dma_start3A_57 = tpu.memref_slice %arg13[%dma_start3A_55, %dma_start3A_56] : memref<10112x128xf32, #tpu.memory_space<vmem_shared>> -> memref<10112x128xf32, #tpu.memory_space<vmem_shared>>
        tpu.enqueue_indirect_dma source(%arg12 : memref<128x128xf32, #tpu.memory_space<vmem>>) target(%dma_start3A_57 : memref<10112x128xf32, #tpu.memory_space<vmem_shared>>) offsets(%arg10 : memref<128xi32, #tpu.memory_space<vmem>>) semaphore(%run_scoped3A : memref<!tpu.dma_semaphore, #tpu.memory_space<semaphore_mem>>) {add = true}
        %dma_wait3A_58 = arith.constant 0 : i32
        %dma_wait3A_59 = arith.constant 0 : i32
        %dma_wait3A_60 = tpu.memref_slice %arg13[%dma_wait3A_58, %dma_wait3A_59] : memref<10112x128xf32, #tpu.memory_space<vmem_shared>> -> memref<10112x128xf32, #tpu.memory_space<vmem_shared>>
        tpu.wait_indirect_dma semaphore(%run_scoped3A : memref<!tpu.dma_semaphore, #tpu.memory_space<semaphore_mem>>) src(%arg12 : memref<128x128xf32, #tpu.memory_space<vmem>>) dst(%dma_wait3A_60 : memref<10112x128xf32, #tpu.memory_space<vmem_shared>>)
        tpu.yield
      }) : () -> ()
      %add3A_48 = arith.constant 3 : i32
      %add3A_49 = arith.addi %mul3A_30, %add3A_48 : i32
      %lt3A_50 = arith.constant 80 : i32
      %lt3A_51 = arith.cmpi slt, %add3A_49, %lt3A_50 : i32
      %convert_element_type3A_52 = arith.extui %lt3A_51 : i1 to i32
      %cond3A_53 = arith.constant 0 : i32
      %cond3A_54 = arith.cmpi ne, %convert_element_type3A_52, %cond3A_53 : i32
      scf.if %cond3A_54 {
        %add3A_55 = arith.addi %mul3A_2, %mul3A_30 : i32
        %add3A_56 = arith.constant 3 : i32
        %add3A_57 = arith.addi %add3A_55, %add3A_56 : i32
        %mul3A_58 = arith.constant 128 : i32
        %mul3A_59 = arith.muli %add3A_57, %mul3A_58 : i32
        "tpu.region"() ({
          %run_scoped3A = tpu.sem_alloc : memref<!tpu.dma_semaphore, #tpu.memory_space<semaphore_mem>>
          %dma_start3A_63 = tpu.memref_slice %arg3[%mul3A_59] : memref<327680xi32, #tpu.memory_space<hbm>> -> memref<128xi32, #tpu.memory_space<hbm>>
          %dma_start3A_64 = tpu.memref_slice %arg3[%mul3A_59] : memref<327680xi32, #tpu.memory_space<hbm>> -> memref<128xi32, #tpu.memory_space<hbm>>
          tpu.enqueue_dma source(%dma_start3A_64 : memref<128xi32, #tpu.memory_space<hbm>>) target(%arg8 : memref<128xi32, #tpu.memory_space<vmem>>) target_semaphore(%run_scoped3A : memref<!tpu.dma_semaphore, #tpu.memory_space<semaphore_mem>>)
          %dma_wait3A_65 = tpu.memref_slice %arg3[%mul3A_59] : memref<327680xi32, #tpu.memory_space<hbm>> -> memref<128xi32, #tpu.memory_space<hbm>>
          %dma_wait3A_66 = tpu.memref_slice %arg3[%mul3A_59] : memref<327680xi32, #tpu.memory_space<hbm>> -> memref<128xi32, #tpu.memory_space<hbm>>
          tpu.wait_dma2 semaphore(%run_scoped3A : memref<!tpu.dma_semaphore, #tpu.memory_space<semaphore_mem>>) src(%dma_wait3A_66 : memref<128xi32, #tpu.memory_space<hbm>>) dst(%arg8 : memref<128xi32, #tpu.memory_space<vmem>>)
          tpu.yield
        }) : () -> ()
        %dma_start3A_60 = arith.constant 0 : i32
        %dma_start3A_61 = arith.constant 0 : i32
        %dma_start3A_62 = tpu.memref_slice %arg2[%dma_start3A_60, %dma_start3A_61] : memref<10000x128xf32, #tpu.memory_space<hbm>> -> memref<10000x128xf32, #tpu.memory_space<hbm>>
        tpu.enqueue_indirect_dma source(%dma_start3A_62 : memref<10000x128xf32, #tpu.memory_space<hbm>>) target(%arg12 : memref<128x128xf32, #tpu.memory_space<vmem>>) offsets(%arg8 : memref<128xi32, #tpu.memory_space<vmem>>) semaphore(%arg15 : memref<!tpu.dma_semaphore, #tpu.memory_space<semaphore_mem>>)
      } else {
      }
    }
    %scan3A_22 = arith.constant 40 : i32
    %barrier3A_23 = arith.constant 0 : index
    tpu.barrier barrier_id(%barrier3A_23)
    %mul3A_24 = arith.constant 632 : i32
    %mul3A_25 = arith.muli %arg1, %mul3A_24 : i32
    %mul3A_26 = arith.constant 632 : i32
    %mul3A_27 = arith.muli %arg1, %mul3A_26 : i32
    "tpu.region"() ({
      %run_scoped3A = tpu.sem_alloc : memref<!tpu.dma_semaphore, #tpu.memory_space<semaphore_mem>>
      %dma_start3A_28 = arith.constant 0 : i32
      %dma_start3A_29 = tpu.memref_slice %arg6[%arg0, %mul3A_27, %dma_start3A_28] : memref<2x10112x128xf32, #tpu.memory_space<hbm>> -> memref<1x632x128xf32, #tpu.memory_space<hbm>>
      %dma_start3A_30 = tpu.memref_squeeze %dma_start3A_29 : memref<1x632x128xf32, #tpu.memory_space<hbm>> -> memref<632x128xf32, #tpu.memory_space<hbm>>
      %dma_start3A_31 = arith.constant 0 : i32
      %dma_start3A_32 = tpu.memref_slice %arg13[%mul3A_25, %dma_start3A_31] : memref<10112x128xf32, #tpu.memory_space<vmem_shared>> -> memref<632x128xf32, #tpu.memory_space<vmem_shared>>
      tpu.enqueue_dma source(%dma_start3A_32 : memref<632x128xf32, #tpu.memory_space<vmem_shared>>) target(%dma_start3A_30 : memref<632x128xf32, #tpu.memory_space<hbm>>) target_semaphore(%run_scoped3A : memref<!tpu.dma_semaphore, #tpu.memory_space<semaphore_mem>>)
      %dma_wait3A = arith.constant 0 : i32
      %dma_wait3A_33 = tpu.memref_slice %arg6[%arg0, %mul3A_27, %dma_wait3A] : memref<2x10112x128xf32, #tpu.memory_space<hbm>> -> memref<1x632x128xf32, #tpu.memory_space<hbm>>
      %dma_wait3A_34 = tpu.memref_squeeze %dma_wait3A_33 : memref<1x632x128xf32, #tpu.memory_space<hbm>> -> memref<632x128xf32, #tpu.memory_space<hbm>>
      %dma_wait3A_35 = arith.constant 0 : i32
      %dma_wait3A_36 = tpu.memref_slice %arg13[%mul3A_25, %dma_wait3A_35] : memref<10112x128xf32, #tpu.memory_space<vmem_shared>> -> memref<632x128xf32, #tpu.memory_space<vmem_shared>>
      tpu.wait_dma2 semaphore(%run_scoped3A : memref<!tpu.dma_semaphore, #tpu.memory_space<semaphore_mem>>) src(%dma_wait3A_36 : memref<632x128xf32, #tpu.memory_space<vmem_shared>>) dst(%dma_wait3A_34 : memref<632x128xf32, #tpu.memory_space<hbm>>)
      tpu.yield
    }) : () -> ()
    return
  }
}

#map = affine_map<(d0, d1) -> (0)>
#map1 = affine_map<(d0, d1) -> (0, 0)>
#map2 = affine_map<(d0, d1) -> (0, 0, 0)>
module attributes {stable_mosaic.version = 14 : i64} {
  func.func @deg_kernel(%arg0: i32, %arg1: i32, %arg2: memref<327680xi32, #tpu.memory_space<hbm>>, %arg3: memref<128x128xf32, #tpu.memory_space<hbm>>, %arg4: memref<10112x128xf32, #tpu.memory_space<hbm>>, %arg5: memref<2x10112x128xf32, #tpu.memory_space<hbm>>, %arg6: memref<128xi32, #tpu.memory_space<vmem>>, %arg7: memref<128x128xf32, #tpu.memory_space<vmem>>, %arg8: memref<10112x128xf32, #tpu.memory_space<vmem_shared>>, %arg9: memref<!tpu.dma_semaphore, #tpu.memory_space<semaphore_mem>>) attributes {dimension_semantics = [#tpu.dimension_semantics<core_parallel>, #tpu.dimension_semantics<subcore_parallel>], iteration_bounds = array<i64: 2, 16>, scalar_prefetch = 0 : i64, scratch_operands = 4 : i64, tpu.core_type = #tpu.core_type<sc_vector_subcore>, window_params = [{transform_indices = #map}, {transform_indices = #map1}, {transform_indices = #map1}, {transform_indices = #map2}]} {
    %mul3A = arith.constant 2 : i32
    %mul3A_0 = arith.muli %arg1, %mul3A : i32
    %add3A = arith.addi %mul3A_0, %arg0 : i32
    %mul3A_1 = arith.constant 80 : i32
    %mul3A_2 = arith.muli %add3A, %mul3A_1 : i32
    %mul3A_3 = arith.constant 632 : i32
    %mul3A_4 = arith.muli %arg1, %mul3A_3 : i32
    %mul3A_5 = arith.constant 632 : i32
    %mul3A_6 = arith.muli %arg1, %mul3A_5 : i32
    "tpu.region"() ({
      %run_scoped3A = tpu.sem_alloc : memref<!tpu.dma_semaphore, #tpu.memory_space<semaphore_mem>>
      %dma_start3A = arith.constant 0 : i32
      %dma_start3A_17 = tpu.memref_slice %arg8[%mul3A_6, %dma_start3A] : memref<10112x128xf32, #tpu.memory_space<vmem_shared>> -> memref<632x128xf32, #tpu.memory_space<vmem_shared>>
      %dma_start3A_18 = arith.constant 0 : i32
      %dma_start3A_19 = tpu.memref_slice %arg4[%mul3A_4, %dma_start3A_18] : memref<10112x128xf32, #tpu.memory_space<hbm>> -> memref<632x128xf32, #tpu.memory_space<hbm>>
      tpu.enqueue_dma source(%dma_start3A_19 : memref<632x128xf32, #tpu.memory_space<hbm>>) target(%dma_start3A_17 : memref<632x128xf32, #tpu.memory_space<vmem_shared>>) target_semaphore(%run_scoped3A : memref<!tpu.dma_semaphore, #tpu.memory_space<semaphore_mem>>)
      %dma_wait3A = arith.constant 0 : i32
      %dma_wait3A_20 = tpu.memref_slice %arg8[%mul3A_6, %dma_wait3A] : memref<10112x128xf32, #tpu.memory_space<vmem_shared>> -> memref<632x128xf32, #tpu.memory_space<vmem_shared>>
      %dma_wait3A_21 = arith.constant 0 : i32
      %dma_wait3A_22 = tpu.memref_slice %arg4[%mul3A_4, %dma_wait3A_21] : memref<10112x128xf32, #tpu.memory_space<hbm>> -> memref<632x128xf32, #tpu.memory_space<hbm>>
      tpu.wait_dma2 semaphore(%run_scoped3A : memref<!tpu.dma_semaphore, #tpu.memory_space<semaphore_mem>>) src(%dma_wait3A_22 : memref<632x128xf32, #tpu.memory_space<hbm>>) dst(%dma_wait3A_20 : memref<632x128xf32, #tpu.memory_space<vmem_shared>>)
      tpu.yield
    }) : () -> ()
    "tpu.region"() ({
      %run_scoped3A = tpu.sem_alloc : memref<!tpu.dma_semaphore, #tpu.memory_space<semaphore_mem>>
      tpu.enqueue_dma source(%arg3 : memref<128x128xf32, #tpu.memory_space<hbm>>) target(%arg7 : memref<128x128xf32, #tpu.memory_space<vmem>>) target_semaphore(%run_scoped3A : memref<!tpu.dma_semaphore, #tpu.memory_space<semaphore_mem>>)
      tpu.wait_dma2 semaphore(%run_scoped3A : memref<!tpu.dma_semaphore, #tpu.memory_space<semaphore_mem>>) src(%arg3 : memref<128x128xf32, #tpu.memory_space<hbm>>) dst(%arg7 : memref<128x128xf32, #tpu.memory_space<vmem>>)
      tpu.yield
    }) : () -> ()
    %barrier3A = arith.constant 0 : index
    tpu.barrier barrier_id(%barrier3A)
    %scan3A = arith.constant 0 : i32
    %scan3A_7 = arith.constant 0 : i32
    %scan3A_8 = arith.constant 80 : i32
    %scan3A_9 = arith.addi %scan3A_7, %scan3A_8 : i32
    %scan3A_10 = arith.constant 1 : i32
    scf.for %scan3A_17 = %scan3A_7 to %scan3A_9 step %scan3A_10  : i32 {
      %add3A_18 = arith.addi %mul3A_2, %scan3A_17 : i32
      %mul3A_19 = arith.constant 128 : i32
      %mul3A_20 = arith.muli %add3A_18, %mul3A_19 : i32
      "tpu.region"() ({
        %run_scoped3A = tpu.sem_alloc : memref<!tpu.dma_semaphore, #tpu.memory_space<semaphore_mem>>
        %dma_start3A = tpu.memref_slice %arg2[%mul3A_20] : memref<327680xi32, #tpu.memory_space<hbm>> -> memref<128xi32, #tpu.memory_space<hbm>>
        %dma_start3A_21 = tpu.memref_slice %arg2[%mul3A_20] : memref<327680xi32, #tpu.memory_space<hbm>> -> memref<128xi32, #tpu.memory_space<hbm>>
        tpu.enqueue_dma source(%dma_start3A_21 : memref<128xi32, #tpu.memory_space<hbm>>) target(%arg6 : memref<128xi32, #tpu.memory_space<vmem>>) target_semaphore(%run_scoped3A : memref<!tpu.dma_semaphore, #tpu.memory_space<semaphore_mem>>)
        %dma_wait3A = tpu.memref_slice %arg2[%mul3A_20] : memref<327680xi32, #tpu.memory_space<hbm>> -> memref<128xi32, #tpu.memory_space<hbm>>
        %dma_wait3A_22 = tpu.memref_slice %arg2[%mul3A_20] : memref<327680xi32, #tpu.memory_space<hbm>> -> memref<128xi32, #tpu.memory_space<hbm>>
        tpu.wait_dma2 semaphore(%run_scoped3A : memref<!tpu.dma_semaphore, #tpu.memory_space<semaphore_mem>>) src(%dma_wait3A_22 : memref<128xi32, #tpu.memory_space<hbm>>) dst(%arg6 : memref<128xi32, #tpu.memory_space<vmem>>)
        tpu.yield
      }) : () -> ()
      "tpu.region"() ({
        %run_scoped3A = tpu.sem_alloc : memref<!tpu.dma_semaphore, #tpu.memory_space<semaphore_mem>>
        %dma_start3A = arith.constant 0 : i32
        %dma_start3A_21 = arith.constant 0 : i32
        %dma_start3A_22 = tpu.memref_slice %arg8[%dma_start3A, %dma_start3A_21] : memref<10112x128xf32, #tpu.memory_space<vmem_shared>> -> memref<10112x128xf32, #tpu.memory_space<vmem_shared>>
        tpu.enqueue_indirect_dma source(%arg7 : memref<128x128xf32, #tpu.memory_space<vmem>>) target(%dma_start3A_22 : memref<10112x128xf32, #tpu.memory_space<vmem_shared>>) offsets(%arg6 : memref<128xi32, #tpu.memory_space<vmem>>) semaphore(%run_scoped3A : memref<!tpu.dma_semaphore, #tpu.memory_space<semaphore_mem>>) {add = true}
        %dma_wait3A = arith.constant 0 : i32
        %dma_wait3A_23 = arith.constant 0 : i32
        %dma_wait3A_24 = tpu.memref_slice %arg8[%dma_wait3A, %dma_wait3A_23] : memref<10112x128xf32, #tpu.memory_space<vmem_shared>> -> memref<10112x128xf32, #tpu.memory_space<vmem_shared>>
        tpu.wait_indirect_dma semaphore(%run_scoped3A : memref<!tpu.dma_semaphore, #tpu.memory_space<semaphore_mem>>) src(%arg7 : memref<128x128xf32, #tpu.memory_space<vmem>>) dst(%dma_wait3A_24 : memref<10112x128xf32, #tpu.memory_space<vmem_shared>>)
        tpu.yield
      }) : () -> ()
    }
    %scan3A_11 = arith.constant 80 : i32
    %barrier3A_12 = arith.constant 0 : index
    tpu.barrier barrier_id(%barrier3A_12)
    %mul3A_13 = arith.constant 632 : i32
    %mul3A_14 = arith.muli %arg1, %mul3A_13 : i32
    %mul3A_15 = arith.constant 632 : i32
    %mul3A_16 = arith.muli %arg1, %mul3A_15 : i32
    "tpu.region"() ({
      %run_scoped3A = tpu.sem_alloc : memref<!tpu.dma_semaphore, #tpu.memory_space<semaphore_mem>>
      %dma_start3A = arith.constant 0 : i32
      %dma_start3A_17 = tpu.memref_slice %arg5[%arg0, %mul3A_16, %dma_start3A] : memref<2x10112x128xf32, #tpu.memory_space<hbm>> -> memref<1x632x128xf32, #tpu.memory_space<hbm>>
      %dma_start3A_18 = tpu.memref_squeeze %dma_start3A_17 : memref<1x632x128xf32, #tpu.memory_space<hbm>> -> memref<632x128xf32, #tpu.memory_space<hbm>>
      %dma_start3A_19 = arith.constant 0 : i32
      %dma_start3A_20 = tpu.memref_slice %arg8[%mul3A_14, %dma_start3A_19] : memref<10112x128xf32, #tpu.memory_space<vmem_shared>> -> memref<632x128xf32, #tpu.memory_space<vmem_shared>>
      tpu.enqueue_dma source(%dma_start3A_20 : memref<632x128xf32, #tpu.memory_space<vmem_shared>>) target(%dma_start3A_18 : memref<632x128xf32, #tpu.memory_space<hbm>>) target_semaphore(%run_scoped3A : memref<!tpu.dma_semaphore, #tpu.memory_space<semaphore_mem>>)
      %dma_wait3A = arith.constant 0 : i32
      %dma_wait3A_21 = tpu.memref_slice %arg5[%arg0, %mul3A_16, %dma_wait3A] : memref<2x10112x128xf32, #tpu.memory_space<hbm>> -> memref<1x632x128xf32, #tpu.memory_space<hbm>>
      %dma_wait3A_22 = tpu.memref_squeeze %dma_wait3A_21 : memref<1x632x128xf32, #tpu.memory_space<hbm>> -> memref<632x128xf32, #tpu.memory_space<hbm>>
      %dma_wait3A_23 = arith.constant 0 : i32
      %dma_wait3A_24 = tpu.memref_slice %arg8[%mul3A_14, %dma_wait3A_23] : memref<10112x128xf32, #tpu.memory_space<vmem_shared>> -> memref<632x128xf32, #tpu.memory_space<vmem_shared>>
      tpu.wait_dma2 semaphore(%run_scoped3A : memref<!tpu.dma_semaphore, #tpu.memory_space<semaphore_mem>>) src(%dma_wait3A_24 : memref<632x128xf32, #tpu.memory_space<vmem_shared>>) dst(%dma_wait3A_22 : memref<632x128xf32, #tpu.memory_space<hbm>>)
      tpu.yield
    }) : () -> ()
    return
  }
}

#map = affine_map<(d0, d1) -> (0, 0)>
#map1 = affine_map<(d0, d1) -> (0)>
#map2 = affine_map<(d0, d1) -> (0, 0, 0)>
module attributes {stable_mosaic.version = 14 : i64} {
  func.func @agg_kernel(%arg0: i32, %arg1: i32, %arg2: memref<10000x128xf32, #tpu.memory_space<hbm>>, %arg3: memref<327680xi32, #tpu.memory_space<hbm>>, %arg4: memref<327680xi32, #tpu.memory_space<hbm>>, %arg5: memref<10112x128xf32, #tpu.memory_space<hbm>>, %arg6: memref<2x10112x128xf32, #tpu.memory_space<hbm>>, %arg7: memref<128xi32, #tpu.memory_space<vmem>>, %arg8: memref<128xi32, #tpu.memory_space<vmem>>, %arg9: memref<128xi32, #tpu.memory_space<vmem>>, %arg10: memref<128xi32, #tpu.memory_space<vmem>>, %arg11: memref<128x128xf32, #tpu.memory_space<vmem>>, %arg12: memref<128x128xf32, #tpu.memory_space<vmem>>, %arg13: memref<10112x128xf32, #tpu.memory_space<vmem_shared>>, %arg14: memref<!tpu.dma_semaphore, #tpu.memory_space<semaphore_mem>>, %arg15: memref<!tpu.dma_semaphore, #tpu.memory_space<semaphore_mem>>) attributes {dimension_semantics = [#tpu.dimension_semantics<core_parallel>, #tpu.dimension_semantics<subcore_parallel>], iteration_bounds = array<i64: 2, 16>, scalar_prefetch = 0 : i64, scratch_operands = 9 : i64, tpu.core_type = #tpu.core_type<sc_vector_subcore>, window_params = [{transform_indices = #map}, {transform_indices = #map1}, {transform_indices = #map1}, {transform_indices = #map}, {transform_indices = #map2}]} {
    %mul3A = arith.constant 2 : i32
    %mul3A_0 = arith.muli %arg1, %mul3A : i32
    %add3A = arith.addi %mul3A_0, %arg0 : i32
    %mul3A_1 = arith.constant 80 : i32
    %mul3A_2 = arith.muli %add3A, %mul3A_1 : i32
    %mul3A_3 = arith.constant 632 : i32
    %mul3A_4 = arith.muli %arg1, %mul3A_3 : i32
    %mul3A_5 = arith.constant 632 : i32
    %mul3A_6 = arith.muli %arg1, %mul3A_5 : i32
    "tpu.region"() ({
      %run_scoped3A = tpu.sem_alloc : memref<!tpu.dma_semaphore, #tpu.memory_space<semaphore_mem>>
      %dma_start3A_28 = arith.constant 0 : i32
      %dma_start3A_29 = tpu.memref_slice %arg13[%mul3A_6, %dma_start3A_28] : memref<10112x128xf32, #tpu.memory_space<vmem_shared>> -> memref<632x128xf32, #tpu.memory_space<vmem_shared>>
      %dma_start3A_30 = arith.constant 0 : i32
      %dma_start3A_31 = tpu.memref_slice %arg5[%mul3A_4, %dma_start3A_30] : memref<10112x128xf32, #tpu.memory_space<hbm>> -> memref<632x128xf32, #tpu.memory_space<hbm>>
      tpu.enqueue_dma source(%dma_start3A_31 : memref<632x128xf32, #tpu.memory_space<hbm>>) target(%dma_start3A_29 : memref<632x128xf32, #tpu.memory_space<vmem_shared>>) target_semaphore(%run_scoped3A : memref<!tpu.dma_semaphore, #tpu.memory_space<semaphore_mem>>)
      %dma_wait3A = arith.constant 0 : i32
      %dma_wait3A_32 = tpu.memref_slice %arg13[%mul3A_6, %dma_wait3A] : memref<10112x128xf32, #tpu.memory_space<vmem_shared>> -> memref<632x128xf32, #tpu.memory_space<vmem_shared>>
      %dma_wait3A_33 = arith.constant 0 : i32
      %dma_wait3A_34 = tpu.memref_slice %arg5[%mul3A_4, %dma_wait3A_33] : memref<10112x128xf32, #tpu.memory_space<hbm>> -> memref<632x128xf32, #tpu.memory_space<hbm>>
      tpu.wait_dma2 semaphore(%run_scoped3A : memref<!tpu.dma_semaphore, #tpu.memory_space<semaphore_mem>>) src(%dma_wait3A_34 : memref<632x128xf32, #tpu.memory_space<hbm>>) dst(%dma_wait3A_32 : memref<632x128xf32, #tpu.memory_space<vmem_shared>>)
      tpu.yield
    }) : () -> ()
    %barrier3A = arith.constant 0 : index
    tpu.barrier barrier_id(%barrier3A)
    %mul3A_7 = arith.constant 128 : i32
    %mul3A_8 = arith.muli %mul3A_2, %mul3A_7 : i32
    "tpu.region"() ({
      %run_scoped3A = tpu.sem_alloc : memref<!tpu.dma_semaphore, #tpu.memory_space<semaphore_mem>>
      %dma_start3A_28 = tpu.memref_slice %arg3[%mul3A_8] : memref<327680xi32, #tpu.memory_space<hbm>> -> memref<128xi32, #tpu.memory_space<hbm>>
      %dma_start3A_29 = tpu.memref_slice %arg3[%mul3A_8] : memref<327680xi32, #tpu.memory_space<hbm>> -> memref<128xi32, #tpu.memory_space<hbm>>
      tpu.enqueue_dma source(%dma_start3A_29 : memref<128xi32, #tpu.memory_space<hbm>>) target(%arg7 : memref<128xi32, #tpu.memory_space<vmem>>) target_semaphore(%run_scoped3A : memref<!tpu.dma_semaphore, #tpu.memory_space<semaphore_mem>>)
      %dma_wait3A = tpu.memref_slice %arg3[%mul3A_8] : memref<327680xi32, #tpu.memory_space<hbm>> -> memref<128xi32, #tpu.memory_space<hbm>>
      %dma_wait3A_30 = tpu.memref_slice %arg3[%mul3A_8] : memref<327680xi32, #tpu.memory_space<hbm>> -> memref<128xi32, #tpu.memory_space<hbm>>
      tpu.wait_dma2 semaphore(%run_scoped3A : memref<!tpu.dma_semaphore, #tpu.memory_space<semaphore_mem>>) src(%dma_wait3A_30 : memref<128xi32, #tpu.memory_space<hbm>>) dst(%arg7 : memref<128xi32, #tpu.memory_space<vmem>>)
      tpu.yield
    }) : () -> ()
    %dma_start3A = arith.constant 0 : i32
    %dma_start3A_9 = arith.constant 0 : i32
    %dma_start3A_10 = tpu.memref_slice %arg2[%dma_start3A, %dma_start3A_9] : memref<10000x128xf32, #tpu.memory_space<hbm>> -> memref<10000x128xf32, #tpu.memory_space<hbm>>
    tpu.enqueue_indirect_dma source(%dma_start3A_10 : memref<10000x128xf32, #tpu.memory_space<hbm>>) target(%arg11 : memref<128x128xf32, #tpu.memory_space<vmem>>) offsets(%arg7 : memref<128xi32, #tpu.memory_space<vmem>>) semaphore(%arg14 : memref<!tpu.dma_semaphore, #tpu.memory_space<semaphore_mem>>)
    %add3A_11 = arith.constant 1 : i32
    %add3A_12 = arith.addi %mul3A_2, %add3A_11 : i32
    %mul3A_13 = arith.constant 128 : i32
    %mul3A_14 = arith.muli %add3A_12, %mul3A_13 : i32
    "tpu.region"() ({
      %run_scoped3A = tpu.sem_alloc : memref<!tpu.dma_semaphore, #tpu.memory_space<semaphore_mem>>
      %dma_start3A_28 = tpu.memref_slice %arg3[%mul3A_14] : memref<327680xi32, #tpu.memory_space<hbm>> -> memref<128xi32, #tpu.memory_space<hbm>>
      %dma_start3A_29 = tpu.memref_slice %arg3[%mul3A_14] : memref<327680xi32, #tpu.memory_space<hbm>> -> memref<128xi32, #tpu.memory_space<hbm>>
      tpu.enqueue_dma source(%dma_start3A_29 : memref<128xi32, #tpu.memory_space<hbm>>) target(%arg8 : memref<128xi32, #tpu.memory_space<vmem>>) target_semaphore(%run_scoped3A : memref<!tpu.dma_semaphore, #tpu.memory_space<semaphore_mem>>)
      %dma_wait3A = tpu.memref_slice %arg3[%mul3A_14] : memref<327680xi32, #tpu.memory_space<hbm>> -> memref<128xi32, #tpu.memory_space<hbm>>
      %dma_wait3A_30 = tpu.memref_slice %arg3[%mul3A_14] : memref<327680xi32, #tpu.memory_space<hbm>> -> memref<128xi32, #tpu.memory_space<hbm>>
      tpu.wait_dma2 semaphore(%run_scoped3A : memref<!tpu.dma_semaphore, #tpu.memory_space<semaphore_mem>>) src(%dma_wait3A_30 : memref<128xi32, #tpu.memory_space<hbm>>) dst(%arg8 : memref<128xi32, #tpu.memory_space<vmem>>)
      tpu.yield
    }) : () -> ()
    %dma_start3A_15 = arith.constant 0 : i32
    %dma_start3A_16 = arith.constant 0 : i32
    %dma_start3A_17 = tpu.memref_slice %arg2[%dma_start3A_15, %dma_start3A_16] : memref<10000x128xf32, #tpu.memory_space<hbm>> -> memref<10000x128xf32, #tpu.memory_space<hbm>>
    tpu.enqueue_indirect_dma source(%dma_start3A_17 : memref<10000x128xf32, #tpu.memory_space<hbm>>) target(%arg12 : memref<128x128xf32, #tpu.memory_space<vmem>>) offsets(%arg8 : memref<128xi32, #tpu.memory_space<vmem>>) semaphore(%arg15 : memref<!tpu.dma_semaphore, #tpu.memory_space<semaphore_mem>>)
    %scan3A = arith.constant 0 : i32
    %scan3A_18 = arith.constant 0 : i32
    %scan3A_19 = arith.constant 40 : i32
    %scan3A_20 = arith.addi %scan3A_18, %scan3A_19 : i32
    %scan3A_21 = arith.constant 1 : i32
    scf.for %scan3A_28 = %scan3A_18 to %scan3A_20 step %scan3A_21  : i32 {
      %mul3A_29 = arith.constant 2 : i32
      %mul3A_30 = arith.muli %mul3A_29, %scan3A_28 : i32
      %dma_wait3A = arith.constant 0 : i32
      %dma_wait3A_31 = arith.constant 0 : i32
      %dma_wait3A_32 = tpu.memref_slice %arg2[%dma_wait3A, %dma_wait3A_31] : memref<10000x128xf32, #tpu.memory_space<hbm>> -> memref<10000x128xf32, #tpu.memory_space<hbm>>
      tpu.wait_indirect_dma semaphore(%arg14 : memref<!tpu.dma_semaphore, #tpu.memory_space<semaphore_mem>>) src(%dma_wait3A_32 : memref<10000x128xf32, #tpu.memory_space<hbm>>) dst(%arg11 : memref<128x128xf32, #tpu.memory_space<vmem>>)
      %add3A_33 = arith.addi %mul3A_2, %mul3A_30 : i32
      %mul3A_34 = arith.constant 128 : i32
      %mul3A_35 = arith.muli %add3A_33, %mul3A_34 : i32
      "tpu.region"() ({
        %run_scoped3A = tpu.sem_alloc : memref<!tpu.dma_semaphore, #tpu.memory_space<semaphore_mem>>
        %dma_start3A_55 = tpu.memref_slice %arg4[%mul3A_35] : memref<327680xi32, #tpu.memory_space<hbm>> -> memref<128xi32, #tpu.memory_space<hbm>>
        %dma_start3A_56 = tpu.memref_slice %arg4[%mul3A_35] : memref<327680xi32, #tpu.memory_space<hbm>> -> memref<128xi32, #tpu.memory_space<hbm>>
        tpu.enqueue_dma source(%dma_start3A_56 : memref<128xi32, #tpu.memory_space<hbm>>) target(%arg9 : memref<128xi32, #tpu.memory_space<vmem>>) target_semaphore(%run_scoped3A : memref<!tpu.dma_semaphore, #tpu.memory_space<semaphore_mem>>)
        %dma_wait3A_57 = tpu.memref_slice %arg4[%mul3A_35] : memref<327680xi32, #tpu.memory_space<hbm>> -> memref<128xi32, #tpu.memory_space<hbm>>
        %dma_wait3A_58 = tpu.memref_slice %arg4[%mul3A_35] : memref<327680xi32, #tpu.memory_space<hbm>> -> memref<128xi32, #tpu.memory_space<hbm>>
        tpu.wait_dma2 semaphore(%run_scoped3A : memref<!tpu.dma_semaphore, #tpu.memory_space<semaphore_mem>>) src(%dma_wait3A_58 : memref<128xi32, #tpu.memory_space<hbm>>) dst(%arg9 : memref<128xi32, #tpu.memory_space<vmem>>)
        tpu.yield
      }) : () -> ()
      "tpu.region"() ({
        %run_scoped3A = tpu.sem_alloc : memref<!tpu.dma_semaphore, #tpu.memory_space<semaphore_mem>>
        %dma_start3A_55 = arith.constant 0 : i32
        %dma_start3A_56 = arith.constant 0 : i32
        %dma_start3A_57 = tpu.memref_slice %arg13[%dma_start3A_55, %dma_start3A_56] : memref<10112x128xf32, #tpu.memory_space<vmem_shared>> -> memref<10112x128xf32, #tpu.memory_space<vmem_shared>>
        tpu.enqueue_indirect_dma source(%arg11 : memref<128x128xf32, #tpu.memory_space<vmem>>) target(%dma_start3A_57 : memref<10112x128xf32, #tpu.memory_space<vmem_shared>>) offsets(%arg9 : memref<128xi32, #tpu.memory_space<vmem>>) semaphore(%run_scoped3A : memref<!tpu.dma_semaphore, #tpu.memory_space<semaphore_mem>>) {add = true}
        %dma_wait3A_58 = arith.constant 0 : i32
        %dma_wait3A_59 = arith.constant 0 : i32
        %dma_wait3A_60 = tpu.memref_slice %arg13[%dma_wait3A_58, %dma_wait3A_59] : memref<10112x128xf32, #tpu.memory_space<vmem_shared>> -> memref<10112x128xf32, #tpu.memory_space<vmem_shared>>
        tpu.wait_indirect_dma semaphore(%run_scoped3A : memref<!tpu.dma_semaphore, #tpu.memory_space<semaphore_mem>>) src(%arg11 : memref<128x128xf32, #tpu.memory_space<vmem>>) dst(%dma_wait3A_60 : memref<10112x128xf32, #tpu.memory_space<vmem_shared>>)
        tpu.yield
      }) : () -> ()
      %add3A_36 = arith.constant 2 : i32
      %add3A_37 = arith.addi %mul3A_30, %add3A_36 : i32
      %lt3A = arith.constant 80 : i32
      %lt3A_38 = arith.cmpi slt, %add3A_37, %lt3A : i32
      %convert_element_type3A = arith.extui %lt3A_38 : i1 to i32
      %cond3A = arith.constant 0 : i32
      %cond3A_39 = arith.cmpi ne, %convert_element_type3A, %cond3A : i32
      scf.if %cond3A_39 {
        %add3A_55 = arith.addi %mul3A_2, %mul3A_30 : i32
        %add3A_56 = arith.constant 2 : i32
        %add3A_57 = arith.addi %add3A_55, %add3A_56 : i32
        %mul3A_58 = arith.constant 128 : i32
        %mul3A_59 = arith.muli %add3A_57, %mul3A_58 : i32
        "tpu.region"() ({
          %run_scoped3A = tpu.sem_alloc : memref<!tpu.dma_semaphore, #tpu.memory_space<semaphore_mem>>
          %dma_start3A_63 = tpu.memref_slice %arg3[%mul3A_59] : memref<327680xi32, #tpu.memory_space<hbm>> -> memref<128xi32, #tpu.memory_space<hbm>>
          %dma_start3A_64 = tpu.memref_slice %arg3[%mul3A_59] : memref<327680xi32, #tpu.memory_space<hbm>> -> memref<128xi32, #tpu.memory_space<hbm>>
          tpu.enqueue_dma source(%dma_start3A_64 : memref<128xi32, #tpu.memory_space<hbm>>) target(%arg7 : memref<128xi32, #tpu.memory_space<vmem>>) target_semaphore(%run_scoped3A : memref<!tpu.dma_semaphore, #tpu.memory_space<semaphore_mem>>)
          %dma_wait3A_65 = tpu.memref_slice %arg3[%mul3A_59] : memref<327680xi32, #tpu.memory_space<hbm>> -> memref<128xi32, #tpu.memory_space<hbm>>
          %dma_wait3A_66 = tpu.memref_slice %arg3[%mul3A_59] : memref<327680xi32, #tpu.memory_space<hbm>> -> memref<128xi32, #tpu.memory_space<hbm>>
          tpu.wait_dma2 semaphore(%run_scoped3A : memref<!tpu.dma_semaphore, #tpu.memory_space<semaphore_mem>>) src(%dma_wait3A_66 : memref<128xi32, #tpu.memory_space<hbm>>) dst(%arg7 : memref<128xi32, #tpu.memory_space<vmem>>)
          tpu.yield
        }) : () -> ()
        %dma_start3A_60 = arith.constant 0 : i32
        %dma_start3A_61 = arith.constant 0 : i32
        %dma_start3A_62 = tpu.memref_slice %arg2[%dma_start3A_60, %dma_start3A_61] : memref<10000x128xf32, #tpu.memory_space<hbm>> -> memref<10000x128xf32, #tpu.memory_space<hbm>>
        tpu.enqueue_indirect_dma source(%dma_start3A_62 : memref<10000x128xf32, #tpu.memory_space<hbm>>) target(%arg11 : memref<128x128xf32, #tpu.memory_space<vmem>>) offsets(%arg7 : memref<128xi32, #tpu.memory_space<vmem>>) semaphore(%arg14 : memref<!tpu.dma_semaphore, #tpu.memory_space<semaphore_mem>>)
      } else {
      }
      %dma_wait3A_40 = arith.constant 0 : i32
      %dma_wait3A_41 = arith.constant 0 : i32
      %dma_wait3A_42 = tpu.memref_slice %arg2[%dma_wait3A_40, %dma_wait3A_41] : memref<10000x128xf32, #tpu.memory_space<hbm>> -> memref<10000x128xf32, #tpu.memory_space<hbm>>
      tpu.wait_indirect_dma semaphore(%arg15 : memref<!tpu.dma_semaphore, #tpu.memory_space<semaphore_mem>>) src(%dma_wait3A_42 : memref<10000x128xf32, #tpu.memory_space<hbm>>) dst(%arg12 : memref<128x128xf32, #tpu.memory_space<vmem>>)
      %add3A_43 = arith.addi %mul3A_2, %mul3A_30 : i32
      %add3A_44 = arith.constant 1 : i32
      %add3A_45 = arith.addi %add3A_43, %add3A_44 : i32
      %mul3A_46 = arith.constant 128 : i32
      %mul3A_47 = arith.muli %add3A_45, %mul3A_46 : i32
      "tpu.region"() ({
        %run_scoped3A = tpu.sem_alloc : memref<!tpu.dma_semaphore, #tpu.memory_space<semaphore_mem>>
        %dma_start3A_55 = tpu.memref_slice %arg4[%mul3A_47] : memref<327680xi32, #tpu.memory_space<hbm>> -> memref<128xi32, #tpu.memory_space<hbm>>
        %dma_start3A_56 = tpu.memref_slice %arg4[%mul3A_47] : memref<327680xi32, #tpu.memory_space<hbm>> -> memref<128xi32, #tpu.memory_space<hbm>>
        tpu.enqueue_dma source(%dma_start3A_56 : memref<128xi32, #tpu.memory_space<hbm>>) target(%arg10 : memref<128xi32, #tpu.memory_space<vmem>>) target_semaphore(%run_scoped3A : memref<!tpu.dma_semaphore, #tpu.memory_space<semaphore_mem>>)
        %dma_wait3A_57 = tpu.memref_slice %arg4[%mul3A_47] : memref<327680xi32, #tpu.memory_space<hbm>> -> memref<128xi32, #tpu.memory_space<hbm>>
        %dma_wait3A_58 = tpu.memref_slice %arg4[%mul3A_47] : memref<327680xi32, #tpu.memory_space<hbm>> -> memref<128xi32, #tpu.memory_space<hbm>>
        tpu.wait_dma2 semaphore(%run_scoped3A : memref<!tpu.dma_semaphore, #tpu.memory_space<semaphore_mem>>) src(%dma_wait3A_58 : memref<128xi32, #tpu.memory_space<hbm>>) dst(%arg10 : memref<128xi32, #tpu.memory_space<vmem>>)
        tpu.yield
      }) : () -> ()
      "tpu.region"() ({
        %run_scoped3A = tpu.sem_alloc : memref<!tpu.dma_semaphore, #tpu.memory_space<semaphore_mem>>
        %dma_start3A_55 = arith.constant 0 : i32
        %dma_start3A_56 = arith.constant 0 : i32
        %dma_start3A_57 = tpu.memref_slice %arg13[%dma_start3A_55, %dma_start3A_56] : memref<10112x128xf32, #tpu.memory_space<vmem_shared>> -> memref<10112x128xf32, #tpu.memory_space<vmem_shared>>
        tpu.enqueue_indirect_dma source(%arg12 : memref<128x128xf32, #tpu.memory_space<vmem>>) target(%dma_start3A_57 : memref<10112x128xf32, #tpu.memory_space<vmem_shared>>) offsets(%arg10 : memref<128xi32, #tpu.memory_space<vmem>>) semaphore(%run_scoped3A : memref<!tpu.dma_semaphore, #tpu.memory_space<semaphore_mem>>) {add = true}
        %dma_wait3A_58 = arith.constant 0 : i32
        %dma_wait3A_59 = arith.constant 0 : i32
        %dma_wait3A_60 = tpu.memref_slice %arg13[%dma_wait3A_58, %dma_wait3A_59] : memref<10112x128xf32, #tpu.memory_space<vmem_shared>> -> memref<10112x128xf32, #tpu.memory_space<vmem_shared>>
        tpu.wait_indirect_dma semaphore(%run_scoped3A : memref<!tpu.dma_semaphore, #tpu.memory_space<semaphore_mem>>) src(%arg12 : memref<128x128xf32, #tpu.memory_space<vmem>>) dst(%dma_wait3A_60 : memref<10112x128xf32, #tpu.memory_space<vmem_shared>>)
        tpu.yield
      }) : () -> ()
      %add3A_48 = arith.constant 3 : i32
      %add3A_49 = arith.addi %mul3A_30, %add3A_48 : i32
      %lt3A_50 = arith.constant 80 : i32
      %lt3A_51 = arith.cmpi slt, %add3A_49, %lt3A_50 : i32
      %convert_element_type3A_52 = arith.extui %lt3A_51 : i1 to i32
      %cond3A_53 = arith.constant 0 : i32
      %cond3A_54 = arith.cmpi ne, %convert_element_type3A_52, %cond3A_53 : i32
      scf.if %cond3A_54 {
        %add3A_55 = arith.addi %mul3A_2, %mul3A_30 : i32
        %add3A_56 = arith.constant 3 : i32
        %add3A_57 = arith.addi %add3A_55, %add3A_56 : i32
        %mul3A_58 = arith.constant 128 : i32
        %mul3A_59 = arith.muli %add3A_57, %mul3A_58 : i32
        "tpu.region"() ({
          %run_scoped3A = tpu.sem_alloc : memref<!tpu.dma_semaphore, #tpu.memory_space<semaphore_mem>>
          %dma_start3A_63 = tpu.memref_slice %arg3[%mul3A_59] : memref<327680xi32, #tpu.memory_space<hbm>> -> memref<128xi32, #tpu.memory_space<hbm>>
          %dma_start3A_64 = tpu.memref_slice %arg3[%mul3A_59] : memref<327680xi32, #tpu.memory_space<hbm>> -> memref<128xi32, #tpu.memory_space<hbm>>
          tpu.enqueue_dma source(%dma_start3A_64 : memref<128xi32, #tpu.memory_space<hbm>>) target(%arg8 : memref<128xi32, #tpu.memory_space<vmem>>) target_semaphore(%run_scoped3A : memref<!tpu.dma_semaphore, #tpu.memory_space<semaphore_mem>>)
          %dma_wait3A_65 = tpu.memref_slice %arg3[%mul3A_59] : memref<327680xi32, #tpu.memory_space<hbm>> -> memref<128xi32, #tpu.memory_space<hbm>>
          %dma_wait3A_66 = tpu.memref_slice %arg3[%mul3A_59] : memref<327680xi32, #tpu.memory_space<hbm>> -> memref<128xi32, #tpu.memory_space<hbm>>
          tpu.wait_dma2 semaphore(%run_scoped3A : memref<!tpu.dma_semaphore, #tpu.memory_space<semaphore_mem>>) src(%dma_wait3A_66 : memref<128xi32, #tpu.memory_space<hbm>>) dst(%arg8 : memref<128xi32, #tpu.memory_space<vmem>>)
          tpu.yield
        }) : () -> ()
        %dma_start3A_60 = arith.constant 0 : i32
        %dma_start3A_61 = arith.constant 0 : i32
        %dma_start3A_62 = tpu.memref_slice %arg2[%dma_start3A_60, %dma_start3A_61] : memref<10000x128xf32, #tpu.memory_space<hbm>> -> memref<10000x128xf32, #tpu.memory_space<hbm>>
        tpu.enqueue_indirect_dma source(%dma_start3A_62 : memref<10000x128xf32, #tpu.memory_space<hbm>>) target(%arg12 : memref<128x128xf32, #tpu.memory_space<vmem>>) offsets(%arg8 : memref<128xi32, #tpu.memory_space<vmem>>) semaphore(%arg15 : memref<!tpu.dma_semaphore, #tpu.memory_space<semaphore_mem>>)
      } else {
      }
    }
    %scan3A_22 = arith.constant 40 : i32
    %barrier3A_23 = arith.constant 0 : index
    tpu.barrier barrier_id(%barrier3A_23)
    %mul3A_24 = arith.constant 632 : i32
    %mul3A_25 = arith.muli %arg1, %mul3A_24 : i32
    %mul3A_26 = arith.constant 632 : i32
    %mul3A_27 = arith.muli %arg1, %mul3A_26 : i32
    "tpu.region"() ({
      %run_scoped3A = tpu.sem_alloc : memref<!tpu.dma_semaphore, #tpu.memory_space<semaphore_mem>>
      %dma_start3A_28 = arith.constant 0 : i32
      %dma_start3A_29 = tpu.memref_slice %arg6[%arg0, %mul3A_27, %dma_start3A_28] : memref<2x10112x128xf32, #tpu.memory_space<hbm>> -> memref<1x632x128xf32, #tpu.memory_space<hbm>>
      %dma_start3A_30 = tpu.memref_squeeze %dma_start3A_29 : memref<1x632x128xf32, #tpu.memory_space<hbm>> -> memref<632x128xf32, #tpu.memory_space<hbm>>
      %dma_start3A_31 = arith.constant 0 : i32
      %dma_start3A_32 = tpu.memref_slice %arg13[%mul3A_25, %dma_start3A_31] : memref<10112x128xf32, #tpu.memory_space<vmem_shared>> -> memref<632x128xf32, #tpu.memory_space<vmem_shared>>
      tpu.enqueue_dma source(%dma_start3A_32 : memref<632x128xf32, #tpu.memory_space<vmem_shared>>) target(%dma_start3A_30 : memref<632x128xf32, #tpu.memory_space<hbm>>) target_semaphore(%run_scoped3A : memref<!tpu.dma_semaphore, #tpu.memory_space<semaphore_mem>>)
      %dma_wait3A = arith.constant 0 : i32
      %dma_wait3A_33 = tpu.memref_slice %arg6[%arg0, %mul3A_27, %dma_wait3A] : memref<2x10112x128xf32, #tpu.memory_space<hbm>> -> memref<1x632x128xf32, #tpu.memory_space<hbm>>
      %dma_wait3A_34 = tpu.memref_squeeze %dma_wait3A_33 : memref<1x632x128xf32, #tpu.memory_space<hbm>> -> memref<632x128xf32, #tpu.memory_space<hbm>>
      %dma_wait3A_35 = arith.constant 0 : i32
      %dma_wait3A_36 = tpu.memref_slice %arg13[%mul3A_25, %dma_wait3A_35] : memref<10112x128xf32, #tpu.memory_space<vmem_shared>> -> memref<632x128xf32, #tpu.memory_space<vmem_shared>>
      tpu.wait_dma2 semaphore(%run_scoped3A : memref<!tpu.dma_semaphore, #tpu.memory_space<semaphore_mem>>) src(%dma_wait3A_36 : memref<632x128xf32, #tpu.memory_space<vmem_shared>>) dst(%dma_wait3A_34 : memref<632x128xf32, #tpu.memory_space<hbm>>)
      tpu.yield
    }) : () -> ()
    return
  }
}

module attributes {stable_mosaic.version = 14 : i64} {
  func.func @body(%arg0: i32, %arg1: memref<2x400x128xf32, #tpu.memory_space<vmem>>, %arg2: memref<400x128xf32, #tpu.memory_space<vmem>>, %arg3: memref<128x128xf32, #tpu.memory_space<vmem>>, %arg4: memref<400x128xf32, #tpu.memory_space<vmem>>, %arg5: memref<400x8xf32, #tpu.memory_space<vmem>>) attributes {dimension_semantics = [#tpu.dimension_semantics<arbitrary>], iteration_bounds = array<i64: 25>, scalar_prefetch = 0 : i64, scratch_operands = 0 : i64, tpu.core_type = #tpu.core_type<tc>, window_params = [{transform_indices = @transform_0, window_bounds = array<i64: 2, 400, 128>}, {transform_indices = @transform_1, window_bounds = array<i64: 400, 128>}, {pipeline_mode = #tpu.pipeline_mode<synchronous>, transform_indices = @transform_2, window_bounds = array<i64: 128, 128>}, {transform_indices = @transform_3, window_bounds = array<i64: 400, 128>}, {transform_indices = @transform_4, window_bounds = array<i64: 400, 8>}]} {
    %get3A = arith.constant 0 : index
    %get3A_0 = arith.constant 0 : index
    %get3A_1 = arith.constant 0 : index
    %get3A_2 = vector.load %arg1[%get3A, %get3A_0, %get3A_1] : memref<2x400x128xf32, #tpu.memory_space<vmem>>, vector<1x400x1xf32>
    %get3A_3 = vector.shape_cast %get3A_2 : vector<1x400x1xf32> to vector<400x1xf32>
    %get3A_4 = arith.constant 1 : index
    %get3A_5 = arith.constant 0 : index
    %get3A_6 = arith.constant 0 : index
    %get3A_7 = vector.load %arg1[%get3A_4, %get3A_5, %get3A_6] : memref<2x400x128xf32, #tpu.memory_space<vmem>>, vector<1x400x1xf32>
    %get3A_8 = vector.shape_cast %get3A_7 : vector<1x400x1xf32> to vector<400x1xf32>
    %add3A = arith.addf %get3A_3, %get3A_8 : vector<400x1xf32>
    %add3A_9 = arith.constant 1.000000e+00 : f32
    %add3A_10 = vector.broadcast %add3A_9 : f32 to vector<400x1xf32>
    %add3A_11 = arith.addf %add3A, %add3A_10 : vector<400x1xf32>
    %rsqrt3A = math.rsqrt %add3A_11 : vector<400x1xf32>
    %get3A_12 = arith.constant 0 : index
    %get3A_13 = arith.constant 0 : index
    %get3A_14 = vector.load %arg2[%get3A_12, %get3A_13] : memref<400x128xf32, #tpu.memory_space<vmem>>, vector<400x128xf32>
    %mul3A = vector.broadcast %rsqrt3A : vector<400x1xf32> to vector<400x128xf32>
    %mul3A_15 = arith.mulf %get3A_14, %mul3A : vector<400x128xf32>
    %get3A_16 = arith.constant 0 : index
    %get3A_17 = arith.constant 0 : index
    %get3A_18 = vector.load %arg3[%get3A_16, %get3A_17] : memref<128x128xf32, #tpu.memory_space<vmem>>, vector<128x128xf32>
    %dot_general3A = arith.constant dense<0.000000e+00> : vector<400x128xf32>
    %dot_general3A_19 = tpu.matmul %mul3A_15, %get3A_18, %dot_general3A {dimension_numbers = #tpu.dot_dimension_numbers<[1], [0], [0], [1], [0, 0, 1, 1], [], []>, transpose_lhs_hint = false} : vector<400x128xf32>, vector<128x128xf32>, vector<400x128xf32> -> vector<400x128xf32>
    %swap3A = arith.constant 0 : index
    %swap3A_20 = arith.constant 0 : index
    %swap3A_21 = vector.load %arg4[%swap3A, %swap3A_20] : memref<400x128xf32, #tpu.memory_space<vmem>>, vector<400x128xf32>
    tpu.vector_store %arg4[%swap3A, %swap3A_20], %dot_general3A_19 {strides = array<i32>} : memref<400x128xf32, #tpu.memory_space<vmem>>, vector<400x128xf32>,
    %broadcast_in_dim3A = vector.shape_cast %rsqrt3A : vector<400x1xf32> to vector<400x1xf32>
    %broadcast_in_dim3A_22 = vector.broadcast %broadcast_in_dim3A : vector<400x1xf32> to vector<400x8xf32>
    %swap3A_23 = arith.constant 0 : index
    %swap3A_24 = arith.constant 0 : index
    %swap3A_25 = vector.load %arg5[%swap3A_23, %swap3A_24] : memref<400x8xf32, #tpu.memory_space<vmem>>, vector<400x8xf32>
    tpu.vector_store %arg5[%swap3A_23, %swap3A_24], %broadcast_in_dim3A_22 {strides = array<i32>} : memref<400x8xf32, #tpu.memory_space<vmem>>, vector<400x8xf32>,
    return
  }
  func.func @transform_0(%arg0: i32) -> (i32, i32, i32) {
    %c0_i32 = arith.constant 0 : i32
    %c0_i32_0 = arith.constant 0 : i32
    %c0_i32_1 = arith.constant 0 : i32
    return %c0_i32, %arg0, %c0_i32_0 : i32, i32, i32
  }
  func.func @transform_1(%arg0: i32) -> (i32, i32) {
    %c0_i32 = arith.constant 0 : i32
    %c0_i32_0 = arith.constant 0 : i32
    return %arg0, %c0_i32 : i32, i32
  }
  func.func @transform_2(%arg0: i32) -> (i32, i32) {
    %c0_i32 = arith.constant 0 : i32
    %c0_i32_0 = arith.constant 0 : i32
    %c0_i32_1 = arith.constant 0 : i32
    return %c0_i32, %c0_i32_0 : i32, i32
  }
  func.func @transform_3(%arg0: i32) -> (i32, i32) {
    %c0_i32 = arith.constant 0 : i32
    %c0_i32_0 = arith.constant 0 : i32
    return %arg0, %c0_i32 : i32, i32
  }
  func.func @transform_4(%arg0: i32) -> (i32, i32) {
    %c0_i32 = arith.constant 0 : i32
    %c0_i32_0 = arith.constant 0 : i32
    return %arg0, %c0_i32 : i32, i32
  }
}

module attributes {stable_mosaic.version = 14 : i64} {
  func.func @body2(%arg0: i32, %arg1: memref<2x400x128xf32, #tpu.memory_space<vmem>>, %arg2: memref<400x128xf32, #tpu.memory_space<vmem>>, %arg3: memref<400x8xf32, #tpu.memory_space<vmem>>, %arg4: memref<1x128xf32, #tpu.memory_space<vmem>>, %arg5: memref<128x128xf32, #tpu.memory_space<vmem>>, %arg6: memref<400x128xf32, #tpu.memory_space<vmem>>) attributes {dimension_semantics = [#tpu.dimension_semantics<arbitrary>], iteration_bounds = array<i64: 25>, scalar_prefetch = 0 : i64, scratch_operands = 0 : i64, tpu.core_type = #tpu.core_type<tc>, window_params = [{transform_indices = @transform_0, window_bounds = array<i64: 2, 400, 128>}, {transform_indices = @transform_1, window_bounds = array<i64: 400, 128>}, {transform_indices = @transform_2, window_bounds = array<i64: 400, 8>}, {pipeline_mode = #tpu.pipeline_mode<synchronous>, transform_indices = @transform_3, window_bounds = array<i64: 1, 128>}, {pipeline_mode = #tpu.pipeline_mode<synchronous>, transform_indices = @transform_4, window_bounds = array<i64: 128, 128>}, {transform_indices = @transform_5, window_bounds = array<i64: 400, 128>}]} {
    %get3A = arith.constant 0 : index
    %get3A_0 = arith.constant 0 : index
    %get3A_1 = arith.constant 0 : index
    %get3A_2 = vector.load %arg1[%get3A, %get3A_0, %get3A_1] : memref<2x400x128xf32, #tpu.memory_space<vmem>>, vector<1x400x128xf32>
    %get3A_3 = vector.shape_cast %get3A_2 : vector<1x400x128xf32> to vector<400x128xf32>
    %get3A_4 = arith.constant 1 : index
    %get3A_5 = arith.constant 0 : index
    %get3A_6 = arith.constant 0 : index
    %get3A_7 = vector.load %arg1[%get3A_4, %get3A_5, %get3A_6] : memref<2x400x128xf32, #tpu.memory_space<vmem>>, vector<1x400x128xf32>
    %get3A_8 = vector.shape_cast %get3A_7 : vector<1x400x128xf32> to vector<400x128xf32>
    %add3A = arith.addf %get3A_3, %get3A_8 : vector<400x128xf32>
    %get3A_9 = arith.constant 0 : index
    %get3A_10 = arith.constant 0 : index
    %get3A_11 = vector.load %arg2[%get3A_9, %get3A_10] : memref<400x128xf32, #tpu.memory_space<vmem>>, vector<400x128xf32>
    %add3A_12 = arith.addf %add3A, %get3A_11 : vector<400x128xf32>
    %get3A_13 = arith.constant 0 : index
    %get3A_14 = arith.constant 0 : index
    %get3A_15 = vector.load %arg3[%get3A_13, %get3A_14] : memref<400x8xf32, #tpu.memory_space<vmem>>, vector<400x1xf32>
    %mul3A = vector.broadcast %get3A_15 : vector<400x1xf32> to vector<400x128xf32>
    %mul3A_16 = arith.mulf %add3A_12, %mul3A : vector<400x128xf32>
    %get3A_17 = arith.constant 0 : index
    %get3A_18 = arith.constant 0 : index
    %get3A_19 = vector.load %arg4[%get3A_17, %get3A_18] : memref<1x128xf32, #tpu.memory_space<vmem>>, vector<1x128xf32>
    %add3A_20 = vector.broadcast %get3A_19 : vector<1x128xf32> to vector<400x128xf32>
    %add3A_21 = arith.addf %mul3A_16, %add3A_20 : vector<400x128xf32>
    %max3A = arith.constant 0.000000e+00 : f32
    %max3A_22 = vector.broadcast %max3A : f32 to vector<400x128xf32>
    %max3A_23 = arith.maximumf %add3A_21, %max3A_22 : vector<400x128xf32>
    %mul3A_24 = vector.broadcast %get3A_15 : vector<400x1xf32> to vector<400x128xf32>
    %mul3A_25 = arith.mulf %max3A_23, %mul3A_24 : vector<400x128xf32>
    %get3A_26 = arith.constant 0 : index
    %get3A_27 = arith.constant 0 : index
    %get3A_28 = vector.load %arg5[%get3A_26, %get3A_27] : memref<128x128xf32, #tpu.memory_space<vmem>>, vector<128x128xf32>
    %dot_general3A = arith.constant dense<0.000000e+00> : vector<400x128xf32>
    %dot_general3A_29 = tpu.matmul %mul3A_25, %get3A_28, %dot_general3A {dimension_numbers = #tpu.dot_dimension_numbers<[1], [0], [0], [1], [0, 0, 1, 1], [], []>, transpose_lhs_hint = false} : vector<400x128xf32>, vector<128x128xf32>, vector<400x128xf32> -> vector<400x128xf32>
    %swap3A = arith.constant 0 : index
    %swap3A_30 = arith.constant 0 : index
    %swap3A_31 = vector.load %arg6[%swap3A, %swap3A_30] : memref<400x128xf32, #tpu.memory_space<vmem>>, vector<400x128xf32>
    tpu.vector_store %arg6[%swap3A, %swap3A_30], %dot_general3A_29 {strides = array<i32>} : memref<400x128xf32, #tpu.memory_space<vmem>>, vector<400x128xf32>,
    return
  }
  func.func @transform_0(%arg0: i32) -> (i32, i32, i32) {
    %c0_i32 = arith.constant 0 : i32
    %c0_i32_0 = arith.constant 0 : i32
    %c0_i32_1 = arith.constant 0 : i32
    return %c0_i32, %arg0, %c0_i32_0 : i32, i32, i32
  }
  func.func @transform_1(%arg0: i32) -> (i32, i32) {
    %c0_i32 = arith.constant 0 : i32
    %c0_i32_0 = arith.constant 0 : i32
    return %arg0, %c0_i32 : i32, i32
  }
  func.func @transform_2(%arg0: i32) -> (i32, i32) {
    %c0_i32 = arith.constant 0 : i32
    %c0_i32_0 = arith.constant 0 : i32
    return %arg0, %c0_i32 : i32, i32
  }
  func.func @transform_3(%arg0: i32) -> (i32, i32) {
    %c0_i32 = arith.constant 0 : i32
    %c0_i32_0 = arith.constant 0 : i32
    %c0_i32_1 = arith.constant 0 : i32
    return %c0_i32, %c0_i32_0 : i32, i32
  }
  func.func @transform_4(%arg0: i32) -> (i32, i32) {
    %c0_i32 = arith.constant 0 : i32
    %c0_i32_0 = arith.constant 0 : i32
    %c0_i32_1 = arith.constant 0 : i32
    return %c0_i32, %c0_i32_0 : i32, i32
  }
  func.func @transform_5(%arg0: i32) -> (i32, i32) {
    %c0_i32 = arith.constant 0 : i32
    %c0_i32_0 = arith.constant 0 : i32
    return %arg0, %c0_i32 : i32, i32
  }
}

module attributes {stable_mosaic.version = 14 : i64} {
  func.func @body(%arg0: i32, %arg1: memref<2x400x128xf32, #tpu.memory_space<vmem>>, %arg2: memref<400x128xf32, #tpu.memory_space<vmem>>, %arg3: memref<400x8xf32, #tpu.memory_space<vmem>>, %arg4: memref<1x128xf32, #tpu.memory_space<vmem>>, %arg5: memref<400x128xf32, #tpu.memory_space<vmem>>) attributes {dimension_semantics = [#tpu.dimension_semantics<arbitrary>], iteration_bounds = array<i64: 25>, scalar_prefetch = 0 : i64, scratch_operands = 0 : i64, tpu.core_type = #tpu.core_type<tc>, window_params = [{transform_indices = @transform_0, window_bounds = array<i64: 2, 400, 128>}, {transform_indices = @transform_1, window_bounds = array<i64: 400, 128>}, {transform_indices = @transform_2, window_bounds = array<i64: 400, 8>}, {pipeline_mode = #tpu.pipeline_mode<synchronous>, transform_indices = @transform_3, window_bounds = array<i64: 1, 128>}, {transform_indices = @transform_4, window_bounds = array<i64: 400, 128>}]} {
    %get3A = arith.constant 0 : index
    %get3A_0 = arith.constant 0 : index
    %get3A_1 = arith.constant 0 : index
    %get3A_2 = vector.load %arg1[%get3A, %get3A_0, %get3A_1] : memref<2x400x128xf32, #tpu.memory_space<vmem>>, vector<1x400x128xf32>
    %get3A_3 = vector.shape_cast %get3A_2 : vector<1x400x128xf32> to vector<400x128xf32>
    %get3A_4 = arith.constant 1 : index
    %get3A_5 = arith.constant 0 : index
    %get3A_6 = arith.constant 0 : index
    %get3A_7 = vector.load %arg1[%get3A_4, %get3A_5, %get3A_6] : memref<2x400x128xf32, #tpu.memory_space<vmem>>, vector<1x400x128xf32>
    %get3A_8 = vector.shape_cast %get3A_7 : vector<1x400x128xf32> to vector<400x128xf32>
    %add3A = arith.addf %get3A_3, %get3A_8 : vector<400x128xf32>
    %get3A_9 = arith.constant 0 : index
    %get3A_10 = arith.constant 0 : index
    %get3A_11 = vector.load %arg2[%get3A_9, %get3A_10] : memref<400x128xf32, #tpu.memory_space<vmem>>, vector<400x128xf32>
    %add3A_12 = arith.addf %add3A, %get3A_11 : vector<400x128xf32>
    %get3A_13 = arith.constant 0 : index
    %get3A_14 = arith.constant 0 : index
    %get3A_15 = vector.load %arg3[%get3A_13, %get3A_14] : memref<400x8xf32, #tpu.memory_space<vmem>>, vector<400x1xf32>
    %mul3A = vector.broadcast %get3A_15 : vector<400x1xf32> to vector<400x128xf32>
    %mul3A_16 = arith.mulf %add3A_12, %mul3A : vector<400x128xf32>
    %get3A_17 = arith.constant 0 : index
    %get3A_18 = arith.constant 0 : index
    %get3A_19 = vector.load %arg4[%get3A_17, %get3A_18] : memref<1x128xf32, #tpu.memory_space<vmem>>, vector<1x128xf32>
    %add3A_20 = vector.broadcast %get3A_19 : vector<1x128xf32> to vector<400x128xf32>
    %add3A_21 = arith.addf %mul3A_16, %add3A_20 : vector<400x128xf32>
    %swap3A = arith.constant 0 : index
    %swap3A_22 = arith.constant 0 : index
    %swap3A_23 = vector.load %arg5[%swap3A, %swap3A_22] : memref<400x128xf32, #tpu.memory_space<vmem>>, vector<400x128xf32>
    tpu.vector_store %arg5[%swap3A, %swap3A_22], %add3A_21 {strides = array<i32>} : memref<400x128xf32, #tpu.memory_space<vmem>>, vector<400x128xf32>,
    return
  }
  func.func @transform_0(%arg0: i32) -> (i32, i32, i32) {
    %c0_i32 = arith.constant 0 : i32
    %c0_i32_0 = arith.constant 0 : i32
    %c0_i32_1 = arith.constant 0 : i32
    return %c0_i32, %arg0, %c0_i32_0 : i32, i32, i32
  }
  func.func @transform_1(%arg0: i32) -> (i32, i32) {
    %c0_i32 = arith.constant 0 : i32
    %c0_i32_0 = arith.constant 0 : i32
    return %arg0, %c0_i32 : i32, i32
  }
  func.func @transform_2(%arg0: i32) -> (i32, i32) {
    %c0_i32 = arith.constant 0 : i32
    %c0_i32_0 = arith.constant 0 : i32
    return %arg0, %c0_i32 : i32, i32
  }
  func.func @transform_3(%arg0: i32) -> (i32, i32) {
    %c0_i32 = arith.constant 0 : i32
    %c0_i32_0 = arith.constant 0 : i32
    %c0_i32_1 = arith.constant 0 : i32
    return %c0_i32, %c0_i32_0 : i32, i32
  }
  func.func @transform_4(%arg0: i32) -> (i32, i32) {
    %c0_i32 = arith.constant 0 : i32
    %c0_i32_0 = arith.constant 0 : i32
    return %arg0, %c0_i32 : i32, i32
  }
}

</mosaic_0001>

<sc_bundles>
// kernel: kernel.11.cloned.1.call-start
scs
__scs_entry_jumppad:
0x0: {  	(pc) =	sbr.rel $0x88, $3  }
0x1: {  	(tag) =	ssettag $0x0;
	lr =	simm.s32 $0x1  }
0x2: {  	[smem:$0x3F9B] =	sst lr;
	_ =	strace $0xD0000000  }
0x3: {  	_ = 	snop  }
0x4: {  	_ = 	snop  }
0x5: {  	_ = 	snop  }
0x6: {  	_ = 	snop  }
0x7: {  	_ = 	snop  }
__scs_overlays_trampoline_lowered:
0x8: {  	[smem:$0x3FAA] =	sst s0  }
0x9: {  	[smem:$0x3FAB] =	sst s1  }
0xa: {  	[smem:$0x3FAC] =	sst s2  }
0xb: {  	[smem:$0x3FAD] =	sst s3  }
0xc: {  	[smem:$0x3FAE] =	sst s4  }
0xd: {  	[smem:$0x3FAF] =	sst s5  }
0xe: {  	[smem:$0x3FB0] =	sst s6  }
0xf: {  	[smem:$0x3FB1] =	sst s7  }
0x10: {  	[smem:$0x3FB2] =	sst s8  }
0x11: {  	[smem:$0x3FB3] =	sst s9;
	s0 =	simm.s32 @!p0 $0x0  }
0x12: {  	s1 =	sld [smem:$0x3F99];
	s0 =	simm.s32 @p0 $0x1  }
0x13: {  	[smem:$0x3FB4] =	sst s0;
	s0 =	simm.s32 @!p1 $0x0  }
0x14: {  	s2 =	sld [smem:$0x3F98];
	s0 =	simm.s32 @p1 $0x1  }
0x15: {  	[smem:$0x3FB5] =	sst s0;
	s0 =	simm.s32 @!p2 $0x0  }
0x16: {  	s3 =	sld [smem:$0x3FDB];
	s0 =	simm.s32 @p2 $0x1  }
0x17: {  	s4 =	simm.s32 $0x1BF5;
	[smem:$0x3FB7] =	sst s0  }
0x18: {  	s0 =	sld [smem:$0x3F9A];
	_ =	swait.ge [sflag:s4], $0x0  }
0x19: {  	s7 =	sld [smem:$0x3F9B]  }
0x1a: {  	s8 =	sadd.s32 $0xFFFFE003, lr  }
0x1b: {  	s9 =	sadd.s32 $0xFFFFFEF7, lr;
	s5 =	simm.s32 $0xFFFFFFFF;
	p2 =	slt.u32 s8, $0xFFFFF086  }
0x1c: {  	p1 =	slt.u32 s9, $0xF7A;
	s5 =	simm.s32 @!p2 $0x0  }
0x1d: {  	s5 =	simm.s32 @p1 $0x1;
	p0 =	seq.s32 s7, s2  }
0x1e: {  	s7 =	smul.u32 @!p0 $0xF7A, s2;
	p2 =	seq.s32 @!p0 s5, $0x0  }
0x1f: {  	s9 =	smul.u32 $0xF7A, s1;
	s8 =	simm.s32 @!p0 $0x1BF5;
	p2 =	por !p2, p0  }
0x20: {  	[sflag:s8] =	ssyncset.s32 @!p0 $0xFFFFF086;
	s6 =	sadd.s32 @!p0 s3, s7;
	s7 =	simm.s32 @!p0 $0x108  }
0x21: {  	s3 =	sadd.s32 s3, s9;
	s6 =	sadd.s32 @!p0 $0x88, s6;
	s7 =	simm.s32 @p2 $0x1082  }
0x22: {  	[simem:s7], [sflag:s8] =	dma.local @!p0 [hbm:s6], $0xF7A  }
0x23: {  	s9 =	sor.u32 $0xD0000000, s2;
	s6 =	simm.s32 $0x108;
	_ =	swait.ge @!p0 [sflag:s8], $0x0  }
0x24: {  	s3 =	sadd.s32 $0x88, s3;
	s6 =	simm.s32 @!p1 $0x1082;
	[sflag:s4] =	ssyncset.s32 $0xFFFFF086  }
0x25: {  	[simem:s6], [sflag:s4] =	dma.local [hbm:s3], $0xF7A  }
0x26: {  	[smem:$0x3F9B] =	sst s1;
	(tag) =	ssettag s2;
	_ =	strace s9  }
0x27: {  	s1 =	sld [smem:$0x3FAB]  }
0x28: {  	s2 =	sld [smem:$0x3FAC]  }
0x29: {  	s4 =	sld [smem:$0x3FAE]  }
0x2a: {  	p0 =	seq.s32 s5, $0x0;
	s5 =	sld [smem:$0x3FAF]  }
0x2b: {  	s6 =	sld [smem:$0x3FB0]  }
0x2c: {  	s7 =	sld [smem:$0x3FB1]  }
0x2d: {  	s3 =	simm.s32 $0x108;
	s8 =	sld [smem:$0x3FB2]  }
0x2e: {  	s3 =	simm.s32 @!p0 $0x1082;
	s9 =	sld [smem:$0x3FB3]  }
0x2f: {  	lr =	sadd.s32 s0, s3;
	s0 =	sld [smem:$0x3FAA]  }
0x30: {  	s3 =	sld [smem:$0x3FAD]  }
0x31: {  	[smem:$0x3FB6] =	sst s10  }
0x32: {  	s10 =	sld [smem:$0x3FB4];
	_ =	sdelay $0x3  }
0x33: {  	p0 =	seq.s32 s10, $0x1;
	s10 =	sld [smem:$0x3FB6];
	_ =	sdelay $0x3  }
0x34: {  	[smem:$0x3FB6] =	sst s10  }
0x35: {  	s10 =	sld [smem:$0x3FB5];
	_ =	sdelay $0x3  }
0x36: {  	p1 =	seq.s32 s10, $0x1;
	s10 =	sld [smem:$0x3FB6];
	_ =	sdelay $0x3  }
0x37: {  	[smem:$0x3FB6] =	sst s10  }
0x38: {  	s10 =	sld [smem:$0x3FB7]  }
0x39: {  	_ = 	snop;
	(pc) =	sbr.ind lr, $3  }
0x3a: {  	_ = 	snop  }
0x3b: {  	_ = 	snop  }
0x3c: {  	p2 =	seq.s32 s10, $0x1;
	s10 =	sld [smem:$0x3FB6]  }
0x3d: {  	_ =	shalt  }
0x3e: {  	_ =	shalt  }
0x3f: {  	_ =	shalt  }
0x40: {  	_ =	shalt  }
0x41: {  	_ =	shalt  }
0x42: {  	_ =	shalt  }
0x43: {  	_ =	shalt  }
0x44: {  	_ =	shalt  }
0x45: {  	_ =	shalt  }
0x46: {  	_ =	shalt  }
0x47: {  	_ =	shalt  }
0x48: {  	_ =	shalt  }
0x49: {  	_ =	shalt  }
0x4a: {  	_ =	shalt  }
0x4b: {  	_ =	shalt  }
0x4c: {  	_ =	shalt  }
0x4d: {  	_ =	shalt  }
0x4e: {  	_ =	shalt  }
0x4f: {  	_ =	shalt  }
0x50: {  	_ =	shalt  }
0x51: {  	_ =	shalt  }
0x52: {  	_ =	shalt  }
0x53: {  	_ =	shalt  }
0x54: {  	_ =	shalt  }
0x55: {  	_ =	shalt  }
0x56: {  	_ =	shalt  }
0x57: {  	_ =	shalt  }
0x58: {  	_ =	shalt  }
0x59: {  	_ =	shalt  }
0x5a: {  	_ =	shalt  }
0x5b: {  	_ =	shalt  }
0x5c: {  	_ =	shalt  }
0x5d: {  	_ =	shalt  }
0x5e: {  	_ =	shalt  }
0x5f: {  	_ =	shalt  }
0x60: {  	_ =	shalt  }
0x61: {  	_ =	shalt  }
0x62: {  	_ =	shalt  }
0x63: {  	_ =	shalt  }
0x64: {  	_ =	shalt  }
0x65: {  	_ =	shalt  }
0x66: {  	_ =	shalt  }
0x67: {  	_ =	shalt  }
0x68: {  	_ =	shalt  }
0x69: {  	_ =	shalt  }
0x6a: {  	_ =	shalt  }
0x6b: {  	_ =	shalt  }
0x6c: {  	_ =	shalt  }
0x6d: {  	_ =	shalt  }
0x6e: {  	_ =	shalt  }
0x6f: {  	_ =	shalt  }
0x70: {  	_ =	shalt  }
0x71: {  	_ =	shalt  }
0x72: {  	_ =	shalt  }
0x73: {  	_ =	shalt  }
0x74: {  	_ =	shalt  }
0x75: {  	_ =	shalt  }
0x76: {  	_ =	shalt  }
0x77: {  	_ =	shalt  }
0x78: {  	_ =	shalt  }
0x79: {  	_ =	shalt  }
0x7a: {  	_ =	shalt  }
0x7b: {  	_ =	shalt  }
0x7c: {  	_ =	shalt  }
0x7d: {  	_ =	shalt  }
0x7e: {  	_ =	shalt  }
0x7f: {  	_ =	shalt  }
0x80: {  	_ =	shalt  }
0x81: {  	_ =	shalt  }
0x82: {  	_ =	shalt  }
0x83: {  	_ =	shalt  }
0x84: {  	_ =	shalt  }
0x85: {  	_ =	shalt  }
0x86: {  	_ =	shalt  }
0x87: {  	_ =	shalt  }
.Lfunc_end0:
.L_simem_size_0:
called_computation.1_lowered:
.L_overlay_start_0:
0x88: {  	s2 =	sld [smem:$0x3FD9]  }
0x89: {  	s3 =	sld [smem:$0x3FFE];
	_ =	sdelay $0x1  }
0x8a: {  	s1 =	srdreg.scid  }
0x8b: {  	s0 =	sand.u32 $0x1, s1  }
0x8c: {  	s17 =	sshll.u32 s0, $0xA;
	s2 =	sadd.s32 s3, s2  }
0x8d: {  	s2 =	sadd.s32 s2, s17  }
0x8e: {  	[smem:$0x3FC2] =	sst s2  }
0x8f: {  	_ = 	snop  }
0x90: {  	s2 =	sld [smem:$0x3FD0];
	(tm) =	ssettm $0x1  }
0x91: {  	s18 =	sld [smem:$0x3FFB];
	_ =	sdelay $0x3  }
0x92: {  	_ =	strace s18  }
0x93: {  	s3 =	sld [smem:$0x3FFC];
	_ =	sdelay $0x3  }
0x94: {  	_ =	strace s3  }
0x95: {  	s3 =	sld [smem:$0x3FFD];
	_ =	sdelay $0x3  }
0x96: {  	_ =	strace s3  }
0x97: {  	_ =	strace $0x8FFFFFFF  }
0x98: {  	s19 =	sld [smem:$0x3FDB];
	_ =	sdelay $0x1  }
0x99: {  	s4 =	simm.s32 $_scs_section_size  }
0x9a: {  	s5 =	simm.s32 $_size__tile_overlayer_lowered;
	s6 =	simm.s32 $_tile_overlayer_lowered  }
0x9b: {  	s22 =	simm.s32 $0x1BFF;
	s21 =	sshll.u32 s6, $0x1;
	s3 =	sadd.s32 s4, s19  }
0x9c: {  	s7 =	simm.s32 $0x0;
	s20 =	sshll.u32 s5, $0x1;
	s5 =	sadd.s32 s21, s3  }
0x9d: {  	[timem:s7], [sflag:s22] =	dma.local [hbm:s5], s20  }
0x9e: {  	_ =	swait.ge [sflag:s22], s20  }
0x9f: {  	s4 =	ssub.s32 $0x0, s20;
	[sflag:s22] =	ssyncset.done $0x0  }
0xa0: {  	[sflag:s22] =	ssyncadd.s32 s4;
	_ =	sdelay $0x1  }
0xa1: {  	s23 =	simm.s32 $0x1B8B  }
0xa2: {  	_ =	swait.ge [sflag:s23], $0x1  }
0xa3: {  	[sflag:s23] =	ssyncset.done $0x0  }
0xa4: {  	s25 =	simm.s32 $0x1B8E;
	s24 =	sld [smem:$0x3FFE];
	[sflag:s23] =	ssyncadd.s32 $0xFFFFFFFF  }
0xa5: {  	s26 =	simm.s32 $execute0_lowered;
	[smem:$0x3FD2] =	sst s25  }
0xa6: {  	s5 =	sshll.u32 s26, $0x1;
	_ =	strace $0x80000049;
	[dreg:$0x1] =	wrdreg $0xFFFFFFFF  }
0xa7: {  	s28 =	simm.s32 $_size_execute0_lowered;
	s3 =	sadd.s32 s3, s5;
	[dreg:$0x0] =	wrdreg $0x0  }
0xa8: {  	s5 =	sshll.u32 s28, $0x1;
	[dreg:$0x2] =	wrdreg s3  }
0xa9: {  	[dreg:$0x3] =	wrdreg s5  }
0xaa: {  	[dreg:$0x4] =	wrdreg $0xC0  }
0xab: {  	_ =	task [dreg:s7], $0x5FFFF  }
0xac: {  	[dreg:$0x1] =	wrdreg $0xFFFFFFFF  }
0xad: {  	[dreg:$0x0] =	wrdreg $0x60  }
0xae: {  	[dreg:$0x2] =	wrdreg s2  }
0xaf: {  	[dreg:$0x3] =	wrdreg s24  }
0xb0: {  	[dreg:$0x4] =	wrdreg $0x82000  }
0xb1: {  	[dreg:$0x5] =	wrdreg $0x9  }
0xb2: {  	_ =	task.clear_ibuf [dreg:s7], $0x6FFFF;
	_ =	strace $0x90000049  }
0xb3: {  	s29 =	simm.s32 $0x9;
	_ =	strace $0x8000004B  }
0xb4: {  	_ =	swait.ge [sflag:s29], $0x1  }
0xb5: {  	[sflag:s29] =	ssyncadd.s32 $0xFFFFFFFF  }
0xb6: {  	_ =	strace $0x9000004B  }
0xb7: {  	_ =	sfence  }
0xb8: {  	s30 =	sld [smem:$0x0];
	_ =	sdelay $0x2  }
0xb9: {  	s31 =	sshll.u32 s1, $0xD;
	s1 =	sshrl.u32 s1, $0x2  }
0xba: {  	s3 =	sand.u32 $0x4000, s31;
	s1 =	sadd.s32 s1, s30  }
0xbb: {  	s0 =	sor.u32 s3, s0;
	s1 =	sshll.u32 s1, $0x11  }
0xbc: {  	s0 =	sor.u32 s1, s0  }
0xbd: {  	s0 =	sadd.s32 $0x8F2B, s0  }
0xbe: {  	[sflag:s0] =	ssyncadd.remote.s32 $0x1  }
0xbf: {  	_ =	sfence.sel $0xFFFF  }
0xc0: {  	[dreg:$0x0] =	wrdreg $0xFFFFFFFF;
	(pc) =	sbr.abs _section_cstart, $3  }
0xc1: {  	[dreg:$0x1] =	wrdreg $0xFFFFFFFF  }
0xc2: {  	_ =	task.clear_ibuf [dreg:s7], $0x2FFFF;
	_ =	strace $0x9FFFFFFF  }
0xc3: {  	(tm) =	ssettm $0x7FFFFFFF  }
tec
execute0_lowered:
.L_overlay_start_1:
0x0: {  	(tag) =	ssettag $0x1  }
0x1: {  	s1 =	rddreg [dreg:$0x0]  }
0x2: {  	s5 =	rddreg [dreg:$0x1]  }
0x3: {  	s3 =	rddreg [dreg:$0x2]  }
0x4: {  	s0 =	rddreg [dreg:$0x3];
	s4 =	simm.s32 $0x0;
	s2 =	stileid.u32  }
0x5: {  	s6 =	srdreg.scid;
	s19 =	simm.s32 $0x4200;
	s20 =	simm.s32 $0x1  }
0x6: {  	s21 =	simm.s32 $0x100;
	s22 =	simm.s32 $0x2;
	s23 =	simm.s32 $0x180  }
0x7: {  	s24 =	simm.s32 $0x0;
	[smem:$0x7FF] =	sst s4;
	s7 =	smul.u32 $0x13C00, s2  }
0x8: {  	s12 =	sand.u32 $0x1, s6;
	s13 =	sadd.s32 $0x82E00, s5;
	s10 =	smul.u32 $0x4F000, s2  }
0x9: {  	s14 =	sadd.s32 $0x2600, s5;
	s28 =	sshll.u32 s2, $0x1;
	s31 =	smul.u32 $0xA00, s2  }
0xa: {  	s30 =	sshll.u32 s2, $0x6;
	_ =	strace $0x8000004A;
	s6 =	smul.u32 $0x13C000, s12  }
0xb: {  	s9 =	ssub.s32 $0x2, s12;
	s18 =	smul.u32 $0x500, s12;
	s8 =	sshrl.u32 s7, $0x3  }
0xc: {  	s11 =	sshrl.u32 s9, $0x1;
	s29 =	sshrl.u32 s10, $0x2;
	s8 =	sadd.s32 s8, s5  }
0xd: {  	s6 =	sadd.s32 s7, s6;
	s7 =	sor.u32 s12, s28;
	s11 =	ssub.s32 s9, s11  }
0xe: {  	s17 =	sadd.s32 s29, s3;
	s6 =	sshrl.u32 s6, $0x3;
	s15 =	smul.u32 $0x500, s7  }
0xf: {  	s7 =	sor.u32 $0x1C03, s30;
	s10 =	smax.u32 s11, $0x1;
	s16 =	sadd.s32 s6, s5  }
0x10: {  	s6 =	sadd.s32 $0xC600, s8;
	s5 =	sadd.s32 s13, s15;
	s9 =	sadd.s32 $0x33E00, s16  }
0x11: {  	s15 =	sadd.s32 s14, s15;
	s13 =	sadd.s32 s31, s13;
	s14 =	sadd.s32 s31, s14  }
0x12: {  	s16 =	simm.s32 $0x3;
	s8 =	sadd.s32 $0x10, s5;
	s11 =	sadd.s32 $0x4E0, s15  }
0x13: {  	s12 =	sadd.s32 $0x4F0, s15;
	s13 =	sadd.s32 s18, s13;
	s14 =	sadd.s32 s18, s14  }
0x14: {  	s15 =	sshrl.u32 s17, $0x3;
	s17 =	simm.s32 $0x80;
	s18 =	simm.s32 $0x200  }
.LBB2_1:
0x15: {  	[spmem:s15], [sflag:s7] =	dma.local [hbm:s6], $0x2780  }
0x16: {  	_ =	swait.ge [sflag:s16], $0x2780  }
0x17: {  	[sflag:s16] =	ssyncset.done $0x0  }
0x18: {  	[sflag:s16] =	ssyncadd.s32 $0xFFFFD880  }
0x19: {  	[bflag:$0x0] =	sbarrier.arrive $0xFFFF  }
0x1a: {  	[tilespmem:s4], [sflag:$0x3] =	stream.linear.gather [hbm4b:s5+s4], $0x80, $0x38;
	[tilespmem:$0x1BE00] =	vst v63  }
0x1b: {  	_ =	swait.ge [sflag:s16], $0x80  }
0x1c: {  	[sflag:s16] =	ssyncset.done $0x0  }
0x1d: {  	[sflag:s16] =	ssyncadd.s32 $0xFFFFFF80  }
0x1e: {  	[tilespmem:s18], [sflag:$0x1] =	stream.indirect.gather [hbm4b:s1+s17], $0x80, s4, s17, $0xb8;
	[tilespmem:$0x1BE00] =	vst v63  }
0x1f: {  	_ = 	snop  }
0x20: {  	[tilespmem:s17], [sflag:$0x3] =	stream.linear.gather [hbm4b:s8+s4], $0x80, $0x38;
	[tilespmem:$0x1BE00] =	vst v63  }
0x21: {  	_ =	swait.ge [sflag:s16], $0x80  }
0x22: {  	[sflag:s16] =	ssyncset.done $0x0  }
0x23: {  	[sflag:s16] =	ssyncadd.s32 $0xFFFFFF80  }
0x24: {  	[tilespmem:s19], [sflag:$0x2] =	stream.indirect.gather [hbm4b:s1+s17], $0x80, s17, s17, $0xb8;
	[tilespmem:$0x1BE00] =	vst v63  }
0x25: {  	_ =	swait.ge [sflag:s20], $0x4000  }
0x26: {  	[sflag:s20] =	ssyncset.done $0x0  }
0x27: {  	s25 =	sadd.s32 $0x0, s14;
	[sflag:s20] =	ssyncadd.s32 $0xFFFFC000  }
0x28: {  	[tilespmem:s21], [sflag:$0x3] =	stream.linear.gather [hbm4b:s25+s4], $0x80, $0x38;
	[tilespmem:$0x1BE00] =	vst v63  }
0x29: {  	_ =	swait.ge [sflag:s16], $0x80  }
0x2a: {  	[sflag:s16] =	ssyncset.done $0x0  }
0x2b: {  	[sflag:s16] =	ssyncadd.s32 $0xFFFFFF80  }
0x2c: {  	[spmem:s3] =	stream.indirect.scatter.add.f32 [tilespmem:s18], [sflag:$0x3], $0x80, s21, s17, $0xb8;
	[tilespmem:$0x1BE00] =	vst v63  }
0x2d: {  	_ =	swait.ge [sflag:s16], $0x4000  }
0x2e: {  	s26 =	sadd.s32 $0x0, s13;
	[sflag:s16] =	ssyncset.done $0x0  }
0x2f: {  	s28 =	sadd.s32 $0x20, s26;
	[sflag:s16] =	ssyncadd.s32 $0xFFFFC000  }
0x30: {  	[tilespmem:s4], [sflag:$0x3] =	stream.linear.gather [hbm4b:s28+s4], $0x80, $0x38;
	[tilespmem:$0x1BE00] =	vst v63  }
0x31: {  	_ =	swait.ge [sflag:s16], $0x80  }
0x32: {  	[sflag:s16] =	ssyncset.done $0x0  }
0x33: {  	[sflag:s16] =	ssyncadd.s32 $0xFFFFFF80  }
0x34: {  	[tilespmem:s18], [sflag:$0x1] =	stream.indirect.gather [hbm4b:s1+s17], $0x80, s4, s17, $0xb8;
	[tilespmem:$0x1BE00] =	vst v63  }
0x35: {  	_ =	swait.ge [sflag:s22], $0x4000  }
0x36: {  	[sflag:s22] =	ssyncset.done $0x0  }
0x37: {  	s25 =	sadd.s32 $0x10, s25;
	[sflag:s22] =	ssyncadd.s32 $0xFFFFC000  }
0x38: {  	[tilespmem:s23], [sflag:$0x3] =	stream.linear.gather [hbm4b:s25+s4], $0x80, $0x38;
	[tilespmem:$0x1BE00] =	vst v63  }
0x39: {  	_ =	swait.ge [sflag:s16], $0x80  }
0x3a: {  	[sflag:s16] =	ssyncset.done $0x0  }
0x3b: {  	[sflag:s16] =	ssyncadd.s32 $0xFFFFFF80  }
0x3c: {  	[spmem:s3] =	stream.indirect.scatter.add.f32 [tilespmem:s19], [sflag:$0x3], $0x80, s23, s17, $0xb8;
	[tilespmem:$0x1BE00] =	vst v63  }
0x3d: {  	_ =	swait.ge [sflag:s16], $0x4000  }
0x3e: {  	[sflag:s16] =	ssyncset.done $0x0  }
0x3f: {  	s31 =	sadd.s32 $0x30, s26;
	[sflag:s16] =	ssyncadd.s32 $0xFFFFC000  }
0x40: {  	[tilespmem:s17], [sflag:$0x3] =	stream.linear.gather [hbm4b:s31+s4], $0x80, $0x38;
	[tilespmem:$0x1BE00] =	vst v63  }
0x41: {  	_ =	swait.ge [sflag:s16], $0x80  }
0x42: {  	[sflag:s16] =	ssyncset.done $0x0  }
0x43: {  	s25 =	simm.s32 $0x20;
	[sflag:s16] =	ssyncadd.s32 $0xFFFFFF80  }
.LBB2_2:
0x44: {  	[tilespmem:s19], [sflag:$0x2] =	stream.indirect.gather [hbm4b:s1+s17], $0x80, s17, s17, $0xb8;
	[tilespmem:$0x1BE00] =	vst v63  }
0x45: {  	s26 =	smov.u32 s25  }
0x46: {  	p0 =	sne.s32 s25, $0x4C0;
	s25 =	sadd.s32 $0x20, s25;
	_ =	swait.ge [sflag:s20], $0x4000  }
0x47: {  	[sflag:s20] =	ssyncset.done $0x0  }
0x48: {  	s28 =	sadd.s32 s26, s14;
	[sflag:s20] =	ssyncadd.s32 $0xFFFFC000  }
0x49: {  	[tilespmem:s21], [sflag:$0x3] =	stream.linear.gather [hbm4b:s28+s4], $0x80, $0x38;
	[tilespmem:$0x1BE00] =	vst v63  }
0x4a: {  	_ =	swait.ge [sflag:s16], $0x80  }
0x4b: {  	[sflag:s16] =	ssyncset.done $0x0  }
0x4c: {  	[sflag:s16] =	ssyncadd.s32 $0xFFFFFF80  }
0x4d: {  	[spmem:s3] =	stream.indirect.scatter.add.f32 [tilespmem:s18], [sflag:$0x3], $0x80, s21, s17, $0xb8;
	[tilespmem:$0x1BE00] =	vst v63  }
0x4e: {  	_ =	swait.ge [sflag:s16], $0x4000  }
0x4f: {  	s26 =	sadd.s32 s26, s13;
	[sflag:s16] =	ssyncset.done $0x0  }
0x50: {  	s29 =	sadd.s32 $0x20, s26;
	[sflag:s16] =	ssyncadd.s32 $0xFFFFC000  }
0x51: {  	[tilespmem:s4], [sflag:$0x3] =	stream.linear.gather [hbm4b:s29+s4], $0x80, $0x38;
	[tilespmem:$0x1BE00] =	vst v63  }
0x52: {  	_ =	swait.ge [sflag:s16], $0x80  }
0x53: {  	[sflag:s16] =	ssyncset.done $0x0  }
0x54: {  	[sflag:s16] =	ssyncadd.s32 $0xFFFFFF80  }
0x55: {  	[tilespmem:s18], [sflag:$0x1] =	stream.indirect.gather [hbm4b:s1+s17], $0x80, s4, s17, $0xb8;
	[tilespmem:$0x1BE00] =	vst v63  }
0x56: {  	_ =	swait.ge [sflag:s22], $0x4000  }
0x57: {  	[sflag:s22] =	ssyncset.done $0x0  }
0x58: {  	s28 =	sadd.s32 $0x10, s28;
	[sflag:s22] =	ssyncadd.s32 $0xFFFFC000  }
0x59: {  	[tilespmem:s23], [sflag:$0x3] =	stream.linear.gather [hbm4b:s28+s4], $0x80, $0x38;
	[tilespmem:$0x1BE00] =	vst v63  }
0x5a: {  	_ =	swait.ge [sflag:s16], $0x80  }
0x5b: {  	[sflag:s16] =	ssyncset.done $0x0  }
0x5c: {  	[sflag:s16] =	ssyncadd.s32 $0xFFFFFF80  }
0x5d: {  	[spmem:s3] =	stream.indirect.scatter.add.f32 [tilespmem:s19], [sflag:$0x3], $0x80, s23, s17, $0xb8;
	[tilespmem:$0x1BE00] =	vst v63  }
0x5e: {  	_ =	swait.ge [sflag:s16], $0x4000  }
0x5f: {  	[sflag:s16] =	ssyncset.done $0x0  }
.Ltmp0:
0x60: {  	s26 =	sadd.s32 $0x30, s26;
	[sflag:s16] =	ssyncadd.s32 $0xFFFFC000;
	(pc) =	sbr.rel @p0 .LBB2_2-.Ltmp0, $4  }
0x61: {  	[tilespmem:s17], [sflag:$0x3] =	stream.linear.gather [hbm4b:s26+s4], $0x80, $0x38;
	[tilespmem:$0x1BE00] =	vst v63  }
0x62: {  	_ =	swait.ge [sflag:s16], $0x80  }
0x63: {  	[sflag:s16] =	ssyncset.done $0x0  }
0x64: {  	[sflag:s16] =	ssyncadd.s32 $0xFFFFFF80  }
0x65: {  	[tilespmem:s19], [sflag:$0x2] =	stream.indirect.gather [hbm4b:s1+s17], $0x80, s17, s17, $0xb8;
	[tilespmem:$0x1BE00] =	vst v63  }
0x66: {  	_ =	swait.ge [sflag:s20], $0x4000  }
0x67: {  	[sflag:s20] =	ssyncset.done $0x0  }
0x68: {  	[sflag:s20] =	ssyncadd.s32 $0xFFFFC000  }
0x69: {  	[tilespmem:s21], [sflag:$0x3] =	stream.linear.gather [hbm4b:s11+s4], $0x80, $0x38;
	[tilespmem:$0x1BE00] =	vst v63  }
0x6a: {  	_ =	swait.ge [sflag:s16], $0x80  }
0x6b: {  	[sflag:s16] =	ssyncset.done $0x0  }
0x6c: {  	[sflag:s16] =	ssyncadd.s32 $0xFFFFFF80  }
0x6d: {  	[spmem:s3] =	stream.indirect.scatter.add.f32 [tilespmem:s18], [sflag:$0x3], $0x80, s21, s17, $0xb8;
	[tilespmem:$0x1BE00] =	vst v63  }
0x6e: {  	_ =	swait.ge [sflag:s16], $0x4000  }
0x6f: {  	[sflag:s16] =	ssyncset.done $0x0  }
0x70: {  	[sflag:s16] =	ssyncadd.s32 $0xFFFFC000  }
0x71: {  	_ =	swait.ge [sflag:s22], $0x4000  }
0x72: {  	[sflag:s22] =	ssyncset.done $0x0  }
0x73: {  	[sflag:s22] =	ssyncadd.s32 $0xFFFFC000  }
0x74: {  	[tilespmem:s23], [sflag:$0x3] =	stream.linear.gather [hbm4b:s12+s4], $0x80, $0x38;
	[tilespmem:$0x1BE00] =	vst v63  }
0x75: {  	_ =	swait.ge [sflag:s16], $0x80  }
0x76: {  	[sflag:s16] =	ssyncset.done $0x0  }
0x77: {  	[sflag:s16] =	ssyncadd.s32 $0xFFFFFF80  }
0x78: {  	[spmem:s3] =	stream.indirect.scatter.add.f32 [tilespmem:s19], [sflag:$0x3], $0x80, s23, s17, $0xb8;
	[tilespmem:$0x1BE00] =	vst v63  }
0x79: {  	_ =	swait.ge [sflag:s16], $0x4000  }
0x7a: {  	s24 =	sadd.s32 $0x1, s24;
	[sflag:s16] =	ssyncset.done $0x0  }
0x7b: {  	p0 =	sne.s32 s24, s10;
	[sflag:s16] =	ssyncadd.s32 $0xFFFFC000  }
.Ltmp1:
0x7c: {  	[bflag:$0x0] =	sbarrier.arrive $0xFFFF;
	(pc) =	sbr.rel @p0 .LBB2_1-.Ltmp1, $4  }
0x7d: {  	[hbm:s9], [sflag:s7] =	dma.local [spmem:s15], $0x2780  }
0x7e: {  	_ =	swait.ge [sflag:s16], $0x2780  }
0x7f: {  	[sflag:s16] =	ssyncset.done $0x0  }
0x80: {  	[sflag:s16] =	ssyncadd.s32 $0xFFFFD880  }
0x81: {  	_ =	sfence.sel $0x180000  }
0x82: {  	[bflag:$0x0] =	sbarrier.arrive $0xFFFF  }
0x83: {  	p0 =	sne.s32 s2, $0x0;
	_ =	strace $0x9000004A  }
0x84: {  	s0 =	sadd.s32 @!p0 $0x100000, s0;
	[bflag:$0x2] =	sbarrier.arrive $0xFFFF  }
0x85: {  	[sflag:s0] =	ssyncadd.tile.s32 @!p0 $0x1;
	_ =	shalt  }
.Lfunc_end2:
_tile_overlayer_lowered:
.L_overlay_start_2:
0x86: {  	(tag) =	ssettag $0x2  }
0x87: {  	s0 =	rddreg [dreg:$0x0];
	s2 =	stileid.u32  }
0x88: {  	s1 =	rddreg [dreg:$0x1];
	p0 =	sne.s32 s2, $0x0  }
0x89: {  	s3 =	rddreg [dreg:$0x2];
	[bflag:$0x3] =	sbarrier.arrive $0xFFFF;
	s2 =	simm.s32 @!p0 $0x1C03  }
0x8a: {  	[timem:s3], [sflag:s2] =	dma.local @!p0 [hbm:s0], s1  }
0x8b: {  	s0 =	simm.s32 @!p0 $0x3  }
0x8c: {  	_ =	swait.ge @!p0 [sflag:s0], s1  }
0x8d: {  	s1 =	ssub.s32 @!p0 $0x0, s1;
	[sflag:s0] =	ssyncset.done @!p0 $0x0  }
0x8e: {  	[sflag:s0] =	ssyncadd.s32 @!p0 s1  }
0x8f: {  	[bflag:$0x3] =	sbarrier.arrive $0xFFFF  }
0x90: {  	_ =	shalt  }

// kernel: kernel.14.cloned.1.call-start
scs
__scs_entry_jumppad:
0x0: {  	(pc) =	sbr.rel $0x88, $3  }
0x1: {  	(tag) =	ssettag $0x0;
	lr =	simm.s32 $0x1  }
0x2: {  	[smem:$0x3F9B] =	sst lr;
	_ =	strace $0xD0000000  }
0x3: {  	_ = 	snop  }
0x4: {  	_ = 	snop  }
0x5: {  	_ = 	snop  }
0x6: {  	_ = 	snop  }
0x7: {  	_ = 	snop  }
__scs_overlays_trampoline_lowered:
0x8: {  	[smem:$0x3FAA] =	sst s0  }
0x9: {  	[smem:$0x3FAB] =	sst s1  }
0xa: {  	[smem:$0x3FAC] =	sst s2  }
0xb: {  	[smem:$0x3FAD] =	sst s3  }
0xc: {  	[smem:$0x3FAE] =	sst s4  }
0xd: {  	[smem:$0x3FAF] =	sst s5  }
0xe: {  	[smem:$0x3FB0] =	sst s6  }
0xf: {  	[smem:$0x3FB1] =	sst s7  }
0x10: {  	[smem:$0x3FB2] =	sst s8  }
0x11: {  	[smem:$0x3FB3] =	sst s9;
	s0 =	simm.s32 @!p0 $0x0  }
0x12: {  	s1 =	sld [smem:$0x3F99];
	s0 =	simm.s32 @p0 $0x1  }
0x13: {  	[smem:$0x3FB4] =	sst s0;
	s0 =	simm.s32 @!p1 $0x0  }
0x14: {  	s2 =	sld [smem:$0x3F98];
	s0 =	simm.s32 @p1 $0x1  }
0x15: {  	[smem:$0x3FB5] =	sst s0;
	s0 =	simm.s32 @!p2 $0x0  }
0x16: {  	s3 =	sld [smem:$0x3FDB];
	s0 =	simm.s32 @p2 $0x1  }
0x17: {  	s4 =	simm.s32 $0x1BF5;
	[smem:$0x3FB7] =	sst s0  }
0x18: {  	s0 =	sld [smem:$0x3F9A];
	_ =	swait.ge [sflag:s4], $0x0  }
0x19: {  	s7 =	sld [smem:$0x3F9B]  }
0x1a: {  	s8 =	sadd.s32 $0xFFFFE003, lr  }
0x1b: {  	s9 =	sadd.s32 $0xFFFFFEF7, lr;
	s5 =	simm.s32 $0xFFFFFFFF;
	p2 =	slt.u32 s8, $0xFFFFF086  }
0x1c: {  	p1 =	slt.u32 s9, $0xF7A;
	s5 =	simm.s32 @!p2 $0x0  }
0x1d: {  	s5 =	simm.s32 @p1 $0x1;
	p0 =	seq.s32 s7, s2  }
0x1e: {  	s7 =	smul.u32 @!p0 $0xF7A, s2;
	p2 =	seq.s32 @!p0 s5, $0x0  }
0x1f: {  	s9 =	smul.u32 $0xF7A, s1;
	s8 =	simm.s32 @!p0 $0x1BF5;
	p2 =	por !p2, p0  }
0x20: {  	[sflag:s8] =	ssyncset.s32 @!p0 $0xFFFFF086;
	s6 =	sadd.s32 @!p0 s3, s7;
	s7 =	simm.s32 @!p0 $0x108  }
0x21: {  	s3 =	sadd.s32 s3, s9;
	s6 =	sadd.s32 @!p0 $0x88, s6;
	s7 =	simm.s32 @p2 $0x1082  }
0x22: {  	[simem:s7], [sflag:s8] =	dma.local @!p0 [hbm:s6], $0xF7A  }
0x23: {  	s9 =	sor.u32 $0xD0000000, s2;
	s6 =	simm.s32 $0x108;
	_ =	swait.ge @!p0 [sflag:s8], $0x0  }
0x24: {  	s3 =	sadd.s32 $0x88, s3;
	s6 =	simm.s32 @!p1 $0x1082;
	[sflag:s4] =	ssyncset.s32 $0xFFFFF086  }
0x25: {  	[simem:s6], [sflag:s4] =	dma.local [hbm:s3], $0xF7A  }
0x26: {  	[smem:$0x3F9B] =	sst s1;
	(tag) =	ssettag s2;
	_ =	strace s9  }
0x27: {  	s1 =	sld [smem:$0x3FAB]  }
0x28: {  	s2 =	sld [smem:$0x3FAC]  }
0x29: {  	s4 =	sld [smem:$0x3FAE]  }
0x2a: {  	p0 =	seq.s32 s5, $0x0;
	s5 =	sld [smem:$0x3FAF]  }
0x2b: {  	s6 =	sld [smem:$0x3FB0]  }
0x2c: {  	s7 =	sld [smem:$0x3FB1]  }
0x2d: {  	s3 =	simm.s32 $0x108;
	s8 =	sld [smem:$0x3FB2]  }
0x2e: {  	s3 =	simm.s32 @!p0 $0x1082;
	s9 =	sld [smem:$0x3FB3]  }
0x2f: {  	lr =	sadd.s32 s0, s3;
	s0 =	sld [smem:$0x3FAA]  }
0x30: {  	s3 =	sld [smem:$0x3FAD]  }
0x31: {  	[smem:$0x3FB6] =	sst s10  }
0x32: {  	s10 =	sld [smem:$0x3FB4];
	_ =	sdelay $0x3  }
0x33: {  	p0 =	seq.s32 s10, $0x1;
	s10 =	sld [smem:$0x3FB6];
	_ =	sdelay $0x3  }
0x34: {  	[smem:$0x3FB6] =	sst s10  }
0x35: {  	s10 =	sld [smem:$0x3FB5];
	_ =	sdelay $0x3  }
0x36: {  	p1 =	seq.s32 s10, $0x1;
	s10 =	sld [smem:$0x3FB6];
	_ =	sdelay $0x3  }
0x37: {  	[smem:$0x3FB6] =	sst s10  }
0x38: {  	s10 =	sld [smem:$0x3FB7]  }
0x39: {  	_ = 	snop;
	(pc) =	sbr.ind lr, $3  }
0x3a: {  	_ = 	snop  }
0x3b: {  	_ = 	snop  }
0x3c: {  	p2 =	seq.s32 s10, $0x1;
	s10 =	sld [smem:$0x3FB6]  }
0x3d: {  	_ =	shalt  }
0x3e: {  	_ =	shalt  }
0x3f: {  	_ =	shalt  }
0x40: {  	_ =	shalt  }
0x41: {  	_ =	shalt  }
0x42: {  	_ =	shalt  }
0x43: {  	_ =	shalt  }
0x44: {  	_ =	shalt  }
0x45: {  	_ =	shalt  }
0x46: {  	_ =	shalt  }
0x47: {  	_ =	shalt  }
0x48: {  	_ =	shalt  }
0x49: {  	_ =	shalt  }
0x4a: {  	_ =	shalt  }
0x4b: {  	_ =	shalt  }
0x4c: {  	_ =	shalt  }
0x4d: {  	_ =	shalt  }
0x4e: {  	_ =	shalt  }
0x4f: {  	_ =	shalt  }
0x50: {  	_ =	shalt  }
0x51: {  	_ =	shalt  }
0x52: {  	_ =	shalt  }
0x53: {  	_ =	shalt  }
0x54: {  	_ =	shalt  }
0x55: {  	_ =	shalt  }
0x56: {  	_ =	shalt  }
0x57: {  	_ =	shalt  }
0x58: {  	_ =	shalt  }
0x59: {  	_ =	shalt  }
0x5a: {  	_ =	shalt  }
0x5b: {  	_ =	shalt  }
0x5c: {  	_ =	shalt  }
0x5d: {  	_ =	shalt  }
0x5e: {  	_ =	shalt  }
0x5f: {  	_ =	shalt  }
0x60: {  	_ =	shalt  }
0x61: {  	_ =	shalt  }
0x62: {  	_ =	shalt  }
0x63: {  	_ =	shalt  }
0x64: {  	_ =	shalt  }
0x65: {  	_ =	shalt  }
0x66: {  	_ =	shalt  }
0x67: {  	_ =	shalt  }
0x68: {  	_ =	shalt  }
0x69: {  	_ =	shalt  }
0x6a: {  	_ =	shalt  }
0x6b: {  	_ =	shalt  }
0x6c: {  	_ =	shalt  }
0x6d: {  	_ =	shalt  }
0x6e: {  	_ =	shalt  }
0x6f: {  	_ =	shalt  }
0x70: {  	_ =	shalt  }
0x71: {  	_ =	shalt  }
0x72: {  	_ =	shalt  }
0x73: {  	_ =	shalt  }
0x74: {  	_ =	shalt  }
0x75: {  	_ =	shalt  }
0x76: {  	_ =	shalt  }
0x77: {  	_ =	shalt  }
0x78: {  	_ =	shalt  }
0x79: {  	_ =	shalt  }
0x7a: {  	_ =	shalt  }
0x7b: {  	_ =	shalt  }
0x7c: {  	_ =	shalt  }
0x7d: {  	_ =	shalt  }
0x7e: {  	_ =	shalt  }
0x7f: {  	_ =	shalt  }
0x80: {  	_ =	shalt  }
0x81: {  	_ =	shalt  }
0x82: {  	_ =	shalt  }
0x83: {  	_ =	shalt  }
0x84: {  	_ =	shalt  }
0x85: {  	_ =	shalt  }
0x86: {  	_ =	shalt  }
0x87: {  	_ =	shalt  }
.Lfunc_end0:
.L_simem_size_0:
called_computation.2_lowered:
.L_overlay_start_0:
0x88: {  	s2 =	sld [smem:$0x3FD9]  }
0x89: {  	s3 =	sld [smem:$0x3FFE];
	_ =	sdelay $0x1  }
0x8a: {  	s1 =	srdreg.scid  }
0x8b: {  	s0 =	sand.u32 $0x1, s1  }
0x8c: {  	s17 =	sshll.u32 s0, $0xA;
	s2 =	sadd.s32 s3, s2  }
0x8d: {  	s2 =	sadd.s32 s2, s17  }
0x8e: {  	[smem:$0x3FC2] =	sst s2  }
0x8f: {  	_ = 	snop  }
0x90: {  	s2 =	sld [smem:$0x3FD0];
	(tm) =	ssettm $0x1  }
0x91: {  	s18 =	sld [smem:$0x3FFB];
	_ =	sdelay $0x3  }
0x92: {  	_ =	strace s18  }
0x93: {  	s3 =	sld [smem:$0x3FFC];
	_ =	sdelay $0x3  }
0x94: {  	_ =	strace s3  }
0x95: {  	s3 =	sld [smem:$0x3FFD];
	_ =	sdelay $0x3  }
0x96: {  	_ =	strace s3  }
0x97: {  	_ =	strace $0x8FFFFFFF  }
0x98: {  	s19 =	sld [smem:$0x3FDB];
	_ =	sdelay $0x1  }
0x99: {  	s4 =	simm.s32 $_scs_section_size  }
0x9a: {  	s5 =	simm.s32 $_size__tile_overlayer_lowered;
	s6 =	simm.s32 $_tile_overlayer_lowered  }
0x9b: {  	s22 =	simm.s32 $0x1BFF;
	s21 =	sshll.u32 s6, $0x1;
	s3 =	sadd.s32 s4, s19  }
0x9c: {  	s7 =	simm.s32 $0x0;
	s20 =	sshll.u32 s5, $0x1;
	s5 =	sadd.s32 s21, s3  }
0x9d: {  	[timem:s7], [sflag:s22] =	dma.local [hbm:s5], s20  }
0x9e: {  	_ =	swait.ge [sflag:s22], s20  }
0x9f: {  	s4 =	ssub.s32 $0x0, s20;
	[sflag:s22] =	ssyncset.done $0x0  }
0xa0: {  	[sflag:s22] =	ssyncadd.s32 s4;
	_ =	sdelay $0x1  }
0xa1: {  	s23 =	simm.s32 $0x1B8B  }
0xa2: {  	_ =	swait.ge [sflag:s23], $0x1  }
0xa3: {  	[sflag:s23] =	ssyncset.done $0x0  }
0xa4: {  	s25 =	simm.s32 $0x1B8E;
	s24 =	sld [smem:$0x3FFE];
	[sflag:s23] =	ssyncadd.s32 $0xFFFFFFFF  }
0xa5: {  	s26 =	simm.s32 $execute0_lowered;
	[smem:$0x3FD2] =	sst s25  }
0xa6: {  	s5 =	sshll.u32 s26, $0x1;
	_ =	strace $0x8000004C;
	[dreg:$0x1] =	wrdreg $0xFFFFFFFF  }
0xa7: {  	s28 =	simm.s32 $_size_execute0_lowered;
	s3 =	sadd.s32 s3, s5;
	[dreg:$0x0] =	wrdreg $0x0  }
0xa8: {  	s5 =	sshll.u32 s28, $0x1;
	[dreg:$0x2] =	wrdreg s3  }
0xa9: {  	[dreg:$0x3] =	wrdreg s5  }
0xaa: {  	[dreg:$0x4] =	wrdreg $0xC0  }
0xab: {  	_ =	task [dreg:s7], $0x5FFFF  }
0xac: {  	[dreg:$0x1] =	wrdreg $0xFFFFFFFF  }
0xad: {  	[dreg:$0x0] =	wrdreg $0x60  }
0xae: {  	[dreg:$0x2] =	wrdreg s2  }
0xaf: {  	[dreg:$0x3] =	wrdreg s24  }
0xb0: {  	[dreg:$0x4] =	wrdreg $0x82000  }
0xb1: {  	[dreg:$0x5] =	wrdreg $0x9  }
0xb2: {  	_ =	task.clear_ibuf [dreg:s7], $0x6FFFF;
	_ =	strace $0x9000004C  }
0xb3: {  	s29 =	simm.s32 $0x9;
	_ =	strace $0x8000004E  }
0xb4: {  	_ =	swait.ge [sflag:s29], $0x1  }
0xb5: {  	[sflag:s29] =	ssyncadd.s32 $0xFFFFFFFF  }
0xb6: {  	_ =	strace $0x9000004E  }
0xb7: {  	_ =	sfence  }
0xb8: {  	s30 =	sld [smem:$0x0];
	_ =	sdelay $0x2  }
0xb9: {  	s31 =	sshll.u32 s1, $0xD;
	s1 =	sshrl.u32 s1, $0x2  }
0xba: {  	s3 =	sand.u32 $0x4000, s31;
	s1 =	sadd.s32 s1, s30  }
0xbb: {  	s0 =	sor.u32 s3, s0;
	s1 =	sshll.u32 s1, $0x11  }
0xbc: {  	s0 =	sor.u32 s1, s0  }
0xbd: {  	s0 =	sadd.s32 $0x8F2B, s0  }
0xbe: {  	[sflag:s0] =	ssyncadd.remote.s32 $0x1  }
0xbf: {  	_ =	sfence.sel $0xFFFF  }
0xc0: {  	[dreg:$0x0] =	wrdreg $0xFFFFFFFF;
	(pc) =	sbr.abs _section_cstart, $3  }
0xc1: {  	[dreg:$0x1] =	wrdreg $0xFFFFFFFF  }
0xc2: {  	_ =	task.clear_ibuf [dreg:s7], $0x2FFFF;
	_ =	strace $0x9FFFFFFF  }
0xc3: {  	(tm) =	ssettm $0x7FFFFFFF  }
tec
execute0_lowered:
.L_overlay_start_1:
0x0: {  	(tag) =	ssettag $0x1  }
0x1: {  	s1 =	rddreg [dreg:$0x0]  }
0x2: {  	s5 =	rddreg [dreg:$0x1]  }
0x3: {  	s3 =	rddreg [dreg:$0x2]  }
0x4: {  	s0 =	rddreg [dreg:$0x3];
	s4 =	simm.s32 $0x0;
	s2 =	stileid.u32  }
0x5: {  	s6 =	srdreg.scid;
	s19 =	simm.s32 $0x4200;
	s20 =	simm.s32 $0x1  }
0x6: {  	s21 =	simm.s32 $0x100;
	s22 =	simm.s32 $0x2;
	s23 =	simm.s32 $0x180  }
0x7: {  	s24 =	simm.s32 $0x0;
	[smem:$0x7FF] =	sst s4;
	s7 =	smul.u32 $0x13C00, s2  }
0x8: {  	s12 =	sand.u32 $0x1, s6;
	s13 =	sadd.s32 $0x82E00, s5;
	s10 =	smul.u32 $0x4F000, s2  }
0x9: {  	s14 =	sadd.s32 $0x2600, s5;
	s28 =	sshll.u32 s2, $0x1;
	s31 =	smul.u32 $0xA00, s2  }
0xa: {  	s30 =	sshll.u32 s2, $0x6;
	_ =	strace $0x8000004D;
	s6 =	smul.u32 $0x13C000, s12  }
0xb: {  	s9 =	ssub.s32 $0x2, s12;
	s18 =	smul.u32 $0x500, s12;
	s8 =	sshrl.u32 s7, $0x3  }
0xc: {  	s11 =	sshrl.u32 s9, $0x1;
	s29 =	sshrl.u32 s10, $0x2;
	s8 =	sadd.s32 s8, s5  }
0xd: {  	s6 =	sadd.s32 s7, s6;
	s7 =	sor.u32 s12, s28;
	s11 =	ssub.s32 s9, s11  }
0xe: {  	s17 =	sadd.s32 s29, s3;
	s6 =	sshrl.u32 s6, $0x3;
	s15 =	smul.u32 $0x500, s7  }
0xf: {  	s7 =	sor.u32 $0x1C03, s30;
	s10 =	smax.u32 s11, $0x1;
	s16 =	sadd.s32 s6, s5  }
0x10: {  	s6 =	sadd.s32 $0xC600, s8;
	s5 =	sadd.s32 s13, s15;
	s9 =	sadd.s32 $0x33E00, s16  }
0x11: {  	s15 =	sadd.s32 s14, s15;
	s13 =	sadd.s32 s31, s13;
	s14 =	sadd.s32 s31, s14  }
0x12: {  	s16 =	simm.s32 $0x3;
	s8 =	sadd.s32 $0x10, s5;
	s11 =	sadd.s32 $0x4E0, s15  }
0x13: {  	s12 =	sadd.s32 $0x4F0, s15;
	s13 =	sadd.s32 s18, s13;
	s14 =	sadd.s32 s18, s14  }
0x14: {  	s15 =	sshrl.u32 s17, $0x3;
	s17 =	simm.s32 $0x80;
	s18 =	simm.s32 $0x200  }
.LBB2_1:
0x15: {  	[spmem:s15], [sflag:s7] =	dma.local [hbm:s6], $0x2780  }
0x16: {  	_ =	swait.ge [sflag:s16], $0x2780  }
0x17: {  	[sflag:s16] =	ssyncset.done $0x0  }
0x18: {  	[sflag:s16] =	ssyncadd.s32 $0xFFFFD880  }
0x19: {  	[bflag:$0x0] =	sbarrier.arrive $0xFFFF  }
0x1a: {  	[tilespmem:s4], [sflag:$0x3] =	stream.linear.gather [hbm4b:s5+s4], $0x80, $0x38;
	[tilespmem:$0x1BE00] =	vst v63  }
0x1b: {  	_ =	swait.ge [sflag:s16], $0x80  }
0x1c: {  	[sflag:s16] =	ssyncset.done $0x0  }
0x1d: {  	[sflag:s16] =	ssyncadd.s32 $0xFFFFFF80  }
0x1e: {  	[tilespmem:s18], [sflag:$0x1] =	stream.indirect.gather [hbm4b:s1+s17], $0x80, s4, s17, $0xb8;
	[tilespmem:$0x1BE00] =	vst v63  }
0x1f: {  	_ = 	snop  }
0x20: {  	[tilespmem:s17], [sflag:$0x3] =	stream.linear.gather [hbm4b:s8+s4], $0x80, $0x38;
	[tilespmem:$0x1BE00] =	vst v63  }
0x21: {  	_ =	swait.ge [sflag:s16], $0x80  }
0x22: {  	[sflag:s16] =	ssyncset.done $0x0  }
0x23: {  	[sflag:s16] =	ssyncadd.s32 $0xFFFFFF80  }
0x24: {  	[tilespmem:s19], [sflag:$0x2] =	stream.indirect.gather [hbm4b:s1+s17], $0x80, s17, s17, $0xb8;
	[tilespmem:$0x1BE00] =	vst v63  }
0x25: {  	_ =	swait.ge [sflag:s20], $0x4000  }
0x26: {  	[sflag:s20] =	ssyncset.done $0x0  }
0x27: {  	s25 =	sadd.s32 $0x0, s14;
	[sflag:s20] =	ssyncadd.s32 $0xFFFFC000  }
0x28: {  	[tilespmem:s21], [sflag:$0x3] =	stream.linear.gather [hbm4b:s25+s4], $0x80, $0x38;
	[tilespmem:$0x1BE00] =	vst v63  }
0x29: {  	_ =	swait.ge [sflag:s16], $0x80  }
0x2a: {  	[sflag:s16] =	ssyncset.done $0x0  }
0x2b: {  	[sflag:s16] =	ssyncadd.s32 $0xFFFFFF80  }
0x2c: {  	[spmem:s3] =	stream.indirect.scatter.add.f32 [tilespmem:s18], [sflag:$0x3], $0x80, s21, s17, $0xb8;
	[tilespmem:$0x1BE00] =	vst v63  }
0x2d: {  	_ =	swait.ge [sflag:s16], $0x4000  }
0x2e: {  	s26 =	sadd.s32 $0x0, s13;
	[sflag:s16] =	ssyncset.done $0x0  }
0x2f: {  	s28 =	sadd.s32 $0x20, s26;
	[sflag:s16] =	ssyncadd.s32 $0xFFFFC000  }
0x30: {  	[tilespmem:s4], [sflag:$0x3] =	stream.linear.gather [hbm4b:s28+s4], $0x80, $0x38;
	[tilespmem:$0x1BE00] =	vst v63  }
0x31: {  	_ =	swait.ge [sflag:s16], $0x80  }
0x32: {  	[sflag:s16] =	ssyncset.done $0x0  }
0x33: {  	[sflag:s16] =	ssyncadd.s32 $0xFFFFFF80  }
0x34: {  	[tilespmem:s18], [sflag:$0x1] =	stream.indirect.gather [hbm4b:s1+s17], $0x80, s4, s17, $0xb8;
	[tilespmem:$0x1BE00] =	vst v63  }
0x35: {  	_ =	swait.ge [sflag:s22], $0x4000  }
0x36: {  	[sflag:s22] =	ssyncset.done $0x0  }
0x37: {  	s25 =	sadd.s32 $0x10, s25;
	[sflag:s22] =	ssyncadd.s32 $0xFFFFC000  }
0x38: {  	[tilespmem:s23], [sflag:$0x3] =	stream.linear.gather [hbm4b:s25+s4], $0x80, $0x38;
	[tilespmem:$0x1BE00] =	vst v63  }
0x39: {  	_ =	swait.ge [sflag:s16], $0x80  }
0x3a: {  	[sflag:s16] =	ssyncset.done $0x0  }
0x3b: {  	[sflag:s16] =	ssyncadd.s32 $0xFFFFFF80  }
0x3c: {  	[spmem:s3] =	stream.indirect.scatter.add.f32 [tilespmem:s19], [sflag:$0x3], $0x80, s23, s17, $0xb8;
	[tilespmem:$0x1BE00] =	vst v63  }
0x3d: {  	_ =	swait.ge [sflag:s16], $0x4000  }
0x3e: {  	[sflag:s16] =	ssyncset.done $0x0  }
0x3f: {  	s31 =	sadd.s32 $0x30, s26;
	[sflag:s16] =	ssyncadd.s32 $0xFFFFC000  }
0x40: {  	[tilespmem:s17], [sflag:$0x3] =	stream.linear.gather [hbm4b:s31+s4], $0x80, $0x38;
	[tilespmem:$0x1BE00] =	vst v63  }
0x41: {  	_ =	swait.ge [sflag:s16], $0x80  }
0x42: {  	[sflag:s16] =	ssyncset.done $0x0  }
0x43: {  	s25 =	simm.s32 $0x20;
	[sflag:s16] =	ssyncadd.s32 $0xFFFFFF80  }
.LBB2_2:
0x44: {  	[tilespmem:s19], [sflag:$0x2] =	stream.indirect.gather [hbm4b:s1+s17], $0x80, s17, s17, $0xb8;
	[tilespmem:$0x1BE00] =	vst v63  }
0x45: {  	s26 =	smov.u32 s25  }
0x46: {  	p0 =	sne.s32 s25, $0x4C0;
	s25 =	sadd.s32 $0x20, s25;
	_ =	swait.ge [sflag:s20], $0x4000  }
0x47: {  	[sflag:s20] =	ssyncset.done $0x0  }
0x48: {  	s28 =	sadd.s32 s26, s14;
	[sflag:s20] =	ssyncadd.s32 $0xFFFFC000  }
0x49: {  	[tilespmem:s21], [sflag:$0x3] =	stream.linear.gather [hbm4b:s28+s4], $0x80, $0x38;
	[tilespmem:$0x1BE00] =	vst v63  }
0x4a: {  	_ =	swait.ge [sflag:s16], $0x80  }
0x4b: {  	[sflag:s16] =	ssyncset.done $0x0  }
0x4c: {  	[sflag:s16] =	ssyncadd.s32 $0xFFFFFF80  }
0x4d: {  	[spmem:s3] =	stream.indirect.scatter.add.f32 [tilespmem:s18], [sflag:$0x3], $0x80, s21, s17, $0xb8;
	[tilespmem:$0x1BE00] =	vst v63  }
0x4e: {  	_ =	swait.ge [sflag:s16], $0x4000  }
0x4f: {  	s26 =	sadd.s32 s26, s13;
	[sflag:s16] =	ssyncset.done $0x0  }
0x50: {  	s29 =	sadd.s32 $0x20, s26;
	[sflag:s16] =	ssyncadd.s32 $0xFFFFC000  }
0x51: {  	[tilespmem:s4], [sflag:$0x3] =	stream.linear.gather [hbm4b:s29+s4], $0x80, $0x38;
	[tilespmem:$0x1BE00] =	vst v63  }
0x52: {  	_ =	swait.ge [sflag:s16], $0x80  }
0x53: {  	[sflag:s16] =	ssyncset.done $0x0  }
0x54: {  	[sflag:s16] =	ssyncadd.s32 $0xFFFFFF80  }
0x55: {  	[tilespmem:s18], [sflag:$0x1] =	stream.indirect.gather [hbm4b:s1+s17], $0x80, s4, s17, $0xb8;
	[tilespmem:$0x1BE00] =	vst v63  }
0x56: {  	_ =	swait.ge [sflag:s22], $0x4000  }
0x57: {  	[sflag:s22] =	ssyncset.done $0x0  }
0x58: {  	s28 =	sadd.s32 $0x10, s28;
	[sflag:s22] =	ssyncadd.s32 $0xFFFFC000  }
0x59: {  	[tilespmem:s23], [sflag:$0x3] =	stream.linear.gather [hbm4b:s28+s4], $0x80, $0x38;
	[tilespmem:$0x1BE00] =	vst v63  }
0x5a: {  	_ =	swait.ge [sflag:s16], $0x80  }
0x5b: {  	[sflag:s16] =	ssyncset.done $0x0  }
0x5c: {  	[sflag:s16] =	ssyncadd.s32 $0xFFFFFF80  }
0x5d: {  	[spmem:s3] =	stream.indirect.scatter.add.f32 [tilespmem:s19], [sflag:$0x3], $0x80, s23, s17, $0xb8;
	[tilespmem:$0x1BE00] =	vst v63  }
0x5e: {  	_ =	swait.ge [sflag:s16], $0x4000  }
0x5f: {  	[sflag:s16] =	ssyncset.done $0x0  }
.Ltmp0:
0x60: {  	s26 =	sadd.s32 $0x30, s26;
	[sflag:s16] =	ssyncadd.s32 $0xFFFFC000;
	(pc) =	sbr.rel @p0 .LBB2_2-.Ltmp0, $4  }
0x61: {  	[tilespmem:s17], [sflag:$0x3] =	stream.linear.gather [hbm4b:s26+s4], $0x80, $0x38;
	[tilespmem:$0x1BE00] =	vst v63  }
0x62: {  	_ =	swait.ge [sflag:s16], $0x80  }
0x63: {  	[sflag:s16] =	ssyncset.done $0x0  }
0x64: {  	[sflag:s16] =	ssyncadd.s32 $0xFFFFFF80  }
0x65: {  	[tilespmem:s19], [sflag:$0x2] =	stream.indirect.gather [hbm4b:s1+s17], $0x80, s17, s17, $0xb8;
	[tilespmem:$0x1BE00] =	vst v63  }
0x66: {  	_ =	swait.ge [sflag:s20], $0x4000  }
0x67: {  	[sflag:s20] =	ssyncset.done $0x0  }
0x68: {  	[sflag:s20] =	ssyncadd.s32 $0xFFFFC000  }
0x69: {  	[tilespmem:s21], [sflag:$0x3] =	stream.linear.gather [hbm4b:s11+s4], $0x80, $0x38;
	[tilespmem:$0x1BE00] =	vst v63  }
0x6a: {  	_ =	swait.ge [sflag:s16], $0x80  }
0x6b: {  	[sflag:s16] =	ssyncset.done $0x0  }
0x6c: {  	[sflag:s16] =	ssyncadd.s32 $0xFFFFFF80  }
0x6d: {  	[spmem:s3] =	stream.indirect.scatter.add.f32 [tilespmem:s18], [sflag:$0x3], $0x80, s21, s17, $0xb8;
	[tilespmem:$0x1BE00] =	vst v63  }
0x6e: {  	_ =	swait.ge [sflag:s16], $0x4000  }
0x6f: {  	[sflag:s16] =	ssyncset.done $0x0  }
0x70: {  	[sflag:s16] =	ssyncadd.s32 $0xFFFFC000  }
0x71: {  	_ =	swait.ge [sflag:s22], $0x4000  }
0x72: {  	[sflag:s22] =	ssyncset.done $0x0  }
0x73: {  	[sflag:s22] =	ssyncadd.s32 $0xFFFFC000  }
0x74: {  	[tilespmem:s23], [sflag:$0x3] =	stream.linear.gather [hbm4b:s12+s4], $0x80, $0x38;
	[tilespmem:$0x1BE00] =	vst v63  }
0x75: {  	_ =	swait.ge [sflag:s16], $0x80  }
0x76: {  	[sflag:s16] =	ssyncset.done $0x0  }
0x77: {  	[sflag:s16] =	ssyncadd.s32 $0xFFFFFF80  }
0x78: {  	[spmem:s3] =	stream.indirect.scatter.add.f32 [tilespmem:s19], [sflag:$0x3], $0x80, s23, s17, $0xb8;
	[tilespmem:$0x1BE00] =	vst v63  }
0x79: {  	_ =	swait.ge [sflag:s16], $0x4000  }
0x7a: {  	s24 =	sadd.s32 $0x1, s24;
	[sflag:s16] =	ssyncset.done $0x0  }
0x7b: {  	p0 =	sne.s32 s24, s10;
	[sflag:s16] =	ssyncadd.s32 $0xFFFFC000  }
.Ltmp1:
0x7c: {  	[bflag:$0x0] =	sbarrier.arrive $0xFFFF;
	(pc) =	sbr.rel @p0 .LBB2_1-.Ltmp1, $4  }
0x7d: {  	[hbm:s9], [sflag:s7] =	dma.local [spmem:s15], $0x2780  }
0x7e: {  	_ =	swait.ge [sflag:s16], $0x2780  }
0x7f: {  	[sflag:s16] =	ssyncset.done $0x0  }
0x80: {  	[sflag:s16] =	ssyncadd.s32 $0xFFFFD880  }
0x81: {  	_ =	sfence.sel $0x180000  }
0x82: {  	[bflag:$0x0] =	sbarrier.arrive $0xFFFF  }
0x83: {  	p0 =	sne.s32 s2, $0x0;
	_ =	strace $0x9000004D  }
0x84: {  	s0 =	sadd.s32 @!p0 $0x100000, s0;
	[bflag:$0x2] =	sbarrier.arrive $0xFFFF  }
0x85: {  	[sflag:s0] =	ssyncadd.tile.s32 @!p0 $0x1;
	_ =	shalt  }
.Lfunc_end2:
_tile_overlayer_lowered:
.L_overlay_start_2:
0x86: {  	(tag) =	ssettag $0x2  }
0x87: {  	s0 =	rddreg [dreg:$0x0];
	s2 =	stileid.u32  }
0x88: {  	s1 =	rddreg [dreg:$0x1];
	p0 =	sne.s32 s2, $0x0  }
0x89: {  	s3 =	rddreg [dreg:$0x2];
	[bflag:$0x3] =	sbarrier.arrive $0xFFFF;
	s2 =	simm.s32 @!p0 $0x1C03  }
0x8a: {  	[timem:s3], [sflag:s2] =	dma.local @!p0 [hbm:s0], s1  }
0x8b: {  	s0 =	simm.s32 @!p0 $0x3  }
0x8c: {  	_ =	swait.ge @!p0 [sflag:s0], s1  }
0x8d: {  	s1 =	ssub.s32 @!p0 $0x0, s1;
	[sflag:s0] =	ssyncset.done @!p0 $0x0  }
0x8e: {  	[sflag:s0] =	ssyncadd.s32 @!p0 s1  }
0x8f: {  	[bflag:$0x3] =	sbarrier.arrive $0xFFFF  }
0x90: {  	_ =	shalt  }

// kernel: kernel.8.cloned.1.call-start
scs
__scs_entry_jumppad:
0x0: {  	(pc) =	sbr.rel $0x88, $3  }
0x1: {  	(tag) =	ssettag $0x0;
	lr =	simm.s32 $0x1  }
0x2: {  	[smem:$0x3F9B] =	sst lr;
	_ =	strace $0xD0000000  }
0x3: {  	_ = 	snop  }
0x4: {  	_ = 	snop  }
0x5: {  	_ = 	snop  }
0x6: {  	_ = 	snop  }
0x7: {  	_ = 	snop  }
__scs_overlays_trampoline_lowered:
0x8: {  	[smem:$0x3FAA] =	sst s0  }
0x9: {  	[smem:$0x3FAB] =	sst s1  }
0xa: {  	[smem:$0x3FAC] =	sst s2  }
0xb: {  	[smem:$0x3FAD] =	sst s3  }
0xc: {  	[smem:$0x3FAE] =	sst s4  }
0xd: {  	[smem:$0x3FAF] =	sst s5  }
0xe: {  	[smem:$0x3FB0] =	sst s6  }
0xf: {  	[smem:$0x3FB1] =	sst s7  }
0x10: {  	[smem:$0x3FB2] =	sst s8  }
0x11: {  	[smem:$0x3FB3] =	sst s9;
	s0 =	simm.s32 @!p0 $0x0  }
0x12: {  	s1 =	sld [smem:$0x3F99];
	s0 =	simm.s32 @p0 $0x1  }
0x13: {  	[smem:$0x3FB4] =	sst s0;
	s0 =	simm.s32 @!p1 $0x0  }
0x14: {  	s2 =	sld [smem:$0x3F98];
	s0 =	simm.s32 @p1 $0x1  }
0x15: {  	[smem:$0x3FB5] =	sst s0;
	s0 =	simm.s32 @!p2 $0x0  }
0x16: {  	s3 =	sld [smem:$0x3FDB];
	s0 =	simm.s32 @p2 $0x1  }
0x17: {  	s4 =	simm.s32 $0x1BF5;
	[smem:$0x3FB7] =	sst s0  }
0x18: {  	s0 =	sld [smem:$0x3F9A];
	_ =	swait.ge [sflag:s4], $0x0  }
0x19: {  	s7 =	sld [smem:$0x3F9B]  }
0x1a: {  	s8 =	sadd.s32 $0xFFFFE003, lr  }
0x1b: {  	s9 =	sadd.s32 $0xFFFFFEF7, lr;
	s5 =	simm.s32 $0xFFFFFFFF;
	p2 =	slt.u32 s8, $0xFFFFF086  }
0x1c: {  	p1 =	slt.u32 s9, $0xF7A;
	s5 =	simm.s32 @!p2 $0x0  }
0x1d: {  	s5 =	simm.s32 @p1 $0x1;
	p0 =	seq.s32 s7, s2  }
0x1e: {  	s7 =	smul.u32 @!p0 $0xF7A, s2;
	p2 =	seq.s32 @!p0 s5, $0x0  }
0x1f: {  	s9 =	smul.u32 $0xF7A, s1;
	s8 =	simm.s32 @!p0 $0x1BF5;
	p2 =	por !p2, p0  }
0x20: {  	[sflag:s8] =	ssyncset.s32 @!p0 $0xFFFFF086;
	s6 =	sadd.s32 @!p0 s3, s7;
	s7 =	simm.s32 @!p0 $0x108  }
0x21: {  	s3 =	sadd.s32 s3, s9;
	s6 =	sadd.s32 @!p0 $0x88, s6;
	s7 =	simm.s32 @p2 $0x1082  }
0x22: {  	[simem:s7], [sflag:s8] =	dma.local @!p0 [hbm:s6], $0xF7A  }
0x23: {  	s9 =	sor.u32 $0xD0000000, s2;
	s6 =	simm.s32 $0x108;
	_ =	swait.ge @!p0 [sflag:s8], $0x0  }
0x24: {  	s3 =	sadd.s32 $0x88, s3;
	s6 =	simm.s32 @!p1 $0x1082;
	[sflag:s4] =	ssyncset.s32 $0xFFFFF086  }
0x25: {  	[simem:s6], [sflag:s4] =	dma.local [hbm:s3], $0xF7A  }
0x26: {  	[smem:$0x3F9B] =	sst s1;
	(tag) =	ssettag s2;
	_ =	strace s9  }
0x27: {  	s1 =	sld [smem:$0x3FAB]  }
0x28: {  	s2 =	sld [smem:$0x3FAC]  }
0x29: {  	s4 =	sld [smem:$0x3FAE]  }
0x2a: {  	p0 =	seq.s32 s5, $0x0;
	s5 =	sld [smem:$0x3FAF]  }
0x2b: {  	s6 =	sld [smem:$0x3FB0]  }
0x2c: {  	s7 =	sld [smem:$0x3FB1]  }
0x2d: {  	s3 =	simm.s32 $0x108;
	s8 =	sld [smem:$0x3FB2]  }
0x2e: {  	s3 =	simm.s32 @!p0 $0x1082;
	s9 =	sld [smem:$0x3FB3]  }
0x2f: {  	lr =	sadd.s32 s0, s3;
	s0 =	sld [smem:$0x3FAA]  }
0x30: {  	s3 =	sld [smem:$0x3FAD]  }
0x31: {  	[smem:$0x3FB6] =	sst s10  }
0x32: {  	s10 =	sld [smem:$0x3FB4];
	_ =	sdelay $0x3  }
0x33: {  	p0 =	seq.s32 s10, $0x1;
	s10 =	sld [smem:$0x3FB6];
	_ =	sdelay $0x3  }
0x34: {  	[smem:$0x3FB6] =	sst s10  }
0x35: {  	s10 =	sld [smem:$0x3FB5];
	_ =	sdelay $0x3  }
0x36: {  	p1 =	seq.s32 s10, $0x1;
	s10 =	sld [smem:$0x3FB6];
	_ =	sdelay $0x3  }
0x37: {  	[smem:$0x3FB6] =	sst s10  }
0x38: {  	s10 =	sld [smem:$0x3FB7]  }
0x39: {  	_ = 	snop;
	(pc) =	sbr.ind lr, $3  }
0x3a: {  	_ = 	snop  }
0x3b: {  	_ = 	snop  }
0x3c: {  	p2 =	seq.s32 s10, $0x1;
	s10 =	sld [smem:$0x3FB6]  }
0x3d: {  	_ =	shalt  }
0x3e: {  	_ =	shalt  }
0x3f: {  	_ =	shalt  }
0x40: {  	_ =	shalt  }
0x41: {  	_ =	shalt  }
0x42: {  	_ =	shalt  }
0x43: {  	_ =	shalt  }
0x44: {  	_ =	shalt  }
0x45: {  	_ =	shalt  }
0x46: {  	_ =	shalt  }
0x47: {  	_ =	shalt  }
0x48: {  	_ =	shalt  }
0x49: {  	_ =	shalt  }
0x4a: {  	_ =	shalt  }
0x4b: {  	_ =	shalt  }
0x4c: {  	_ =	shalt  }
0x4d: {  	_ =	shalt  }
0x4e: {  	_ =	shalt  }
0x4f: {  	_ =	shalt  }
0x50: {  	_ =	shalt  }
0x51: {  	_ =	shalt  }
0x52: {  	_ =	shalt  }
0x53: {  	_ =	shalt  }
0x54: {  	_ =	shalt  }
0x55: {  	_ =	shalt  }
0x56: {  	_ =	shalt  }
0x57: {  	_ =	shalt  }
0x58: {  	_ =	shalt  }
0x59: {  	_ =	shalt  }
0x5a: {  	_ =	shalt  }
0x5b: {  	_ =	shalt  }
0x5c: {  	_ =	shalt  }
0x5d: {  	_ =	shalt  }
0x5e: {  	_ =	shalt  }
0x5f: {  	_ =	shalt  }
0x60: {  	_ =	shalt  }
0x61: {  	_ =	shalt  }
0x62: {  	_ =	shalt  }
0x63: {  	_ =	shalt  }
0x64: {  	_ =	shalt  }
0x65: {  	_ =	shalt  }
0x66: {  	_ =	shalt  }
0x67: {  	_ =	shalt  }
0x68: {  	_ =	shalt  }
0x69: {  	_ =	shalt  }
0x6a: {  	_ =	shalt  }
0x6b: {  	_ =	shalt  }
0x6c: {  	_ =	shalt  }
0x6d: {  	_ =	shalt  }
0x6e: {  	_ =	shalt  }
0x6f: {  	_ =	shalt  }
0x70: {  	_ =	shalt  }
0x71: {  	_ =	shalt  }
0x72: {  	_ =	shalt  }
0x73: {  	_ =	shalt  }
0x74: {  	_ =	shalt  }
0x75: {  	_ =	shalt  }
0x76: {  	_ =	shalt  }
0x77: {  	_ =	shalt  }
0x78: {  	_ =	shalt  }
0x79: {  	_ =	shalt  }
0x7a: {  	_ =	shalt  }
0x7b: {  	_ =	shalt  }
0x7c: {  	_ =	shalt  }
0x7d: {  	_ =	shalt  }
0x7e: {  	_ =	shalt  }
0x7f: {  	_ =	shalt  }
0x80: {  	_ =	shalt  }
0x81: {  	_ =	shalt  }
0x82: {  	_ =	shalt  }
0x83: {  	_ =	shalt  }
0x84: {  	_ =	shalt  }
0x85: {  	_ =	shalt  }
0x86: {  	_ =	shalt  }
0x87: {  	_ =	shalt  }
.Lfunc_end0:
.L_simem_size_0:
called_computation_lowered:
.L_overlay_start_0:
0x88: {  	s2 =	sld [smem:$0x3FD9]  }
0x89: {  	s3 =	sld [smem:$0x3FFE];
	_ =	sdelay $0x1  }
0x8a: {  	s1 =	srdreg.scid  }
0x8b: {  	s0 =	sand.u32 $0x1, s1  }
0x8c: {  	s17 =	sshll.u32 s0, $0xA;
	s2 =	sadd.s32 s3, s2  }
0x8d: {  	s2 =	sadd.s32 s2, s17  }
0x8e: {  	[smem:$0x3FC2] =	sst s2  }
0x8f: {  	_ = 	snop  }
0x90: {  	s2 =	sld [smem:$0x3FD0];
	(tm) =	ssettm $0x1  }
0x91: {  	s18 =	sld [smem:$0x3FFB];
	_ =	sdelay $0x3  }
0x92: {  	_ =	strace s18  }
0x93: {  	s3 =	sld [smem:$0x3FFC];
	_ =	sdelay $0x3  }
0x94: {  	_ =	strace s3  }
0x95: {  	s3 =	sld [smem:$0x3FFD];
	_ =	sdelay $0x3  }
0x96: {  	_ =	strace s3  }
0x97: {  	_ =	strace $0x8FFFFFFF  }
0x98: {  	s19 =	sld [smem:$0x3FDB];
	_ =	sdelay $0x1  }
0x99: {  	s4 =	simm.s32 $_scs_section_size  }
0x9a: {  	s5 =	simm.s32 $_size__tile_overlayer_lowered;
	s6 =	simm.s32 $_tile_overlayer_lowered  }
0x9b: {  	s22 =	simm.s32 $0x1BFF;
	s21 =	sshll.u32 s6, $0x1;
	s3 =	sadd.s32 s4, s19  }
0x9c: {  	s7 =	simm.s32 $0x0;
	s20 =	sshll.u32 s5, $0x1;
	s5 =	sadd.s32 s21, s3  }
0x9d: {  	[timem:s7], [sflag:s22] =	dma.local [hbm:s5], s20  }
0x9e: {  	_ =	swait.ge [sflag:s22], s20  }
0x9f: {  	s4 =	ssub.s32 $0x0, s20;
	[sflag:s22] =	ssyncset.done $0x0  }
0xa0: {  	[sflag:s22] =	ssyncadd.s32 s4;
	_ =	sdelay $0x1  }
0xa1: {  	s23 =	simm.s32 $0x1B8B  }
0xa2: {  	_ =	swait.ge [sflag:s23], $0x1  }
0xa3: {  	[sflag:s23] =	ssyncset.done $0x0  }
0xa4: {  	s25 =	simm.s32 $0x1B8E;
	s24 =	sld [smem:$0x3FFE];
	[sflag:s23] =	ssyncadd.s32 $0xFFFFFFFF  }
0xa5: {  	s26 =	simm.s32 $execute0_lowered;
	[smem:$0x3FD2] =	sst s25  }
0xa6: {  	s5 =	sshll.u32 s26, $0x1;
	_ =	strace $0x80000046;
	[dreg:$0x1] =	wrdreg $0xFFFFFFFF  }
0xa7: {  	s28 =	simm.s32 $_size_execute0_lowered;
	s3 =	sadd.s32 s3, s5;
	[dreg:$0x0] =	wrdreg $0x0  }
0xa8: {  	s5 =	sshll.u32 s28, $0x1;
	[dreg:$0x2] =	wrdreg s3  }
0xa9: {  	[dreg:$0x3] =	wrdreg s5  }
0xaa: {  	[dreg:$0x4] =	wrdreg $0xC0  }
0xab: {  	_ =	task [dreg:s7], $0x5FFFF  }
0xac: {  	[dreg:$0x1] =	wrdreg $0xFFFFFFFF  }
0xad: {  	[dreg:$0x0] =	wrdreg $0x60  }
0xae: {  	[dreg:$0x2] =	wrdreg s24  }
0xaf: {  	[dreg:$0x3] =	wrdreg s2  }
0xb0: {  	[dreg:$0x4] =	wrdreg $0x40800  }
0xb1: {  	[dreg:$0x5] =	wrdreg $0x9  }
0xb2: {  	_ =	task.clear_ibuf [dreg:s7], $0x6FFFF;
	_ =	strace $0x90000046  }
0xb3: {  	s29 =	simm.s32 $0x9;
	_ =	strace $0x80000048  }
0xb4: {  	_ =	swait.ge [sflag:s29], $0x1  }
0xb5: {  	[sflag:s29] =	ssyncadd.s32 $0xFFFFFFFF  }
0xb6: {  	_ =	strace $0x90000048  }
0xb7: {  	_ =	sfence  }
0xb8: {  	s30 =	sld [smem:$0x0];
	_ =	sdelay $0x2  }
0xb9: {  	s31 =	sshll.u32 s1, $0xD;
	s1 =	sshrl.u32 s1, $0x2  }
0xba: {  	s3 =	sand.u32 $0x4000, s31;
	s1 =	sadd.s32 s1, s30  }
0xbb: {  	s0 =	sor.u32 s3, s0;
	s1 =	sshll.u32 s1, $0x11  }
0xbc: {  	s0 =	sor.u32 s1, s0  }
0xbd: {  	s0 =	sadd.s32 $0x8F2B, s0  }
0xbe: {  	[sflag:s0] =	ssyncadd.remote.s32 $0x1  }
0xbf: {  	_ =	sfence.sel $0xFFFF  }
0xc0: {  	[dreg:$0x0] =	wrdreg $0xFFFFFFFF;
	(pc) =	sbr.abs _section_cstart, $3  }
0xc1: {  	[dreg:$0x1] =	wrdreg $0xFFFFFFFF  }
0xc2: {  	_ =	task.clear_ibuf [dreg:s7], $0x2FFFF;
	_ =	strace $0x9FFFFFFF  }
0xc3: {  	(tm) =	ssettm $0x7FFFFFFF  }
tec
execute0_lowered:
.L_overlay_start_1:
0x0: {  	(tag) =	ssettag $0x1  }
0x1: {  	s5 =	rddreg [dreg:$0x0]  }
0x2: {  	s2 =	rddreg [dreg:$0x1]  }
0x3: {  	s3 =	rddreg [dreg:$0x2]  }
0x4: {  	s0 =	rddreg [dreg:$0x3];
	s1 =	stileid.u32  }
0x5: {  	s7 =	srdreg.scid;
	s6 =	smul.u32 $0xA00, s1  }
0x6: {  	s4 =	simm.s32 $0x0;
	s13 =	simm.s32 $0x0;
	s8 =	smul.u32 $0x13C00, s1  }
0x7: {  	s7 =	sand.u32 $0x1, s7;
	[smem:$0x7FF] =	sst s4;
	s11 =	smul.u32 $0x4F000, s1  }
0x8: {  	s31 =	sshll.u32 s1, $0x6;
	s9 =	smul.u32 $0x13C000, s7;
	_ =	strace $0x80000047  }
0x9: {  	s26 =	ssub.s32 $0x2, s7;
	s30 =	smul.u32 $0x500, s7;
	s10 =	sadd.s32 s6, s5  }
0xa: {  	s25 =	sshrl.u32 s8, $0x3;
	s28 =	sshrl.u32 s26, $0x1;
	s29 =	sshrl.u32 s11, $0x2  }
0xb: {  	s11 =	simm.s32 $0x1;
	s8 =	sadd.s32 s8, s9;
	s6 =	sadd.s32 s25, s5  }
0xc: {  	s9 =	ssub.s32 s26, s28;
	s12 =	sadd.s32 s29, s3;
	s8 =	sshrl.u32 s8, $0x3  }
0xd: {  	s10 =	sadd.s32 s30, s10;
	s8 =	sadd.s32 s8, s5;
	s5 =	sadd.s32 $0xC600, s6  }
0xe: {  	s6 =	sor.u32 $0x1C01, s31;
	s7 =	sadd.s32 $0x33E00, s8;
	s8 =	smax.u32 s9, $0x1  }
0xf: {  	s9 =	sadd.s32 $0x2600, s10;
	s10 =	sshrl.u32 s12, $0x3;
	s12 =	simm.s32 $0x80  }
.LBB2_1:
0x10: {  	[spmem:s10], [sflag:s6] =	dma.local [hbm:s5], $0x2780  }
0x11: {  	_ =	swait.ge [sflag:s11], $0x2780  }
0x12: {  	[sflag:s11] =	ssyncset.done $0x0  }
0x13: {  	[sflag:s11] =	ssyncadd.s32 $0xFFFFD880  }
0x14: {  	[tilespmem:s12], [sflag:$0x1] =	stream.linear.gather [hbm4b:s2+s4], $0x4000, $0x38;
	[tilespmem:$0x17C80] =	vst v63  }
0x15: {  	_ =	swait.ge [sflag:s11], $0x4000  }
0x16: {  	[sflag:s11] =	ssyncset.done $0x0  }
0x17: {  	[sflag:s11] =	ssyncadd.s32 $0xFFFFC000  }
0x18: {  	s14 =	sadd.s32 $0x0, s9;
	[bflag:$0x0] =	sbarrier.arrive $0xFFFF  }
0x19: {  	[tilespmem:s4], [sflag:$0x1] =	stream.linear.gather [hbm4b:s14+s4], $0x80, $0x38;
	[tilespmem:$0x17C80] =	vst v63  }
0x1a: {  	_ =	swait.ge [sflag:s11], $0x80  }
0x1b: {  	[sflag:s11] =	ssyncset.done $0x0  }
0x1c: {  	[sflag:s11] =	ssyncadd.s32 $0xFFFFFF80  }
0x1d: {  	[spmem:s3] =	stream.indirect.scatter.add.f32 [tilespmem:s12], [sflag:$0x1], $0x80, s4, s12, $0xb8;
	[tilespmem:$0x17C80] =	vst v63  }
0x1e: {  	_ =	swait.ge [sflag:s11], $0x4000  }
0x1f: {  	s15 =	simm.s32 $0x20;
	s14 =	simm.s32 $0x10;
	[sflag:s11] =	ssyncset.done $0x0  }
.LBB2_2:
0x20: {  	s16 =	sadd.s32 s14, s9  }
0x21: {  	[sflag:s11] =	ssyncadd.s32 $0xFFFFC000;
	s14 =	smov.u32 s15;
	s17 =	sadd.s32 $0x10, s15  }
0x22: {  	[tilespmem:s4], [sflag:$0x1] =	stream.linear.gather [hbm4b:s16+s4], $0x80, $0x38;
	[tilespmem:$0x17C80] =	vst v63  }
0x23: {  	p0 =	sne.s32 s15, $0x4F0;
	_ =	swait.ge [sflag:s11], $0x80  }
.Ltmp0:
0x24: {  	[sflag:s11] =	ssyncset.done $0x0;
	(pc) =	sbr.rel @p0 .LBB2_2-.Ltmp0, $4  }
0x25: {  	[sflag:s11] =	ssyncadd.s32 $0xFFFFFF80  }
0x26: {  	[spmem:s3] =	stream.indirect.scatter.add.f32 [tilespmem:s12], [sflag:$0x1], $0x80, s4, s12, $0xb8;
	[tilespmem:$0x17C80] =	vst v63  }
0x27: {  	_ =	swait.ge [sflag:s11], $0x4000  }
0x28: {  	s15 =	smov.u32 s17;
	[sflag:s11] =	ssyncset.done $0x0  }
0x29: {  	s14 =	sadd.s32 s14, s9;
	[sflag:s11] =	ssyncadd.s32 $0xFFFFC000  }
0x2a: {  	[tilespmem:s4], [sflag:$0x1] =	stream.linear.gather [hbm4b:s14+s4], $0x80, $0x38;
	[tilespmem:$0x17C80] =	vst v63  }
0x2b: {  	_ =	swait.ge [sflag:s11], $0x80  }
0x2c: {  	[sflag:s11] =	ssyncset.done $0x0  }
0x2d: {  	[sflag:s11] =	ssyncadd.s32 $0xFFFFFF80  }
0x2e: {  	[spmem:s3] =	stream.indirect.scatter.add.f32 [tilespmem:s12], [sflag:$0x1], $0x80, s4, s12, $0xb8;
	[tilespmem:$0x17C80] =	vst v63  }
0x2f: {  	_ =	swait.ge [sflag:s11], $0x4000  }
0x30: {  	s13 =	sadd.s32 $0x1, s13;
	[sflag:s11] =	ssyncset.done $0x0  }
0x31: {  	p0 =	sne.s32 s13, s8;
	[sflag:s11] =	ssyncadd.s32 $0xFFFFC000  }
.Ltmp1:
0x32: {  	[bflag:$0x0] =	sbarrier.arrive $0xFFFF;
	(pc) =	sbr.rel @p0 .LBB2_1-.Ltmp1, $4  }
0x33: {  	[hbm:s7], [sflag:s6] =	dma.local [spmem:s10], $0x2780  }
0x34: {  	_ =	swait.ge [sflag:s11], $0x2780  }
0x35: {  	[sflag:s11] =	ssyncset.done $0x0  }
0x36: {  	[sflag:s11] =	ssyncadd.s32 $0xFFFFD880  }
0x37: {  	_ =	sfence.sel $0x180000  }
0x38: {  	[bflag:$0x0] =	sbarrier.arrive $0xFFFF  }
0x39: {  	p0 =	sne.s32 s1, $0x0;
	_ =	strace $0x90000047  }
0x3a: {  	s0 =	sadd.s32 @!p0 $0x100000, s0;
	[bflag:$0x2] =	sbarrier.arrive $0xFFFF  }
0x3b: {  	[sflag:s0] =	ssyncadd.tile.s32 @!p0 $0x1;
	_ =	shalt  }
.Lfunc_end2:
_tile_overlayer_lowered:
.L_overlay_start_2:
0x3c: {  	(tag) =	ssettag $0x2  }
0x3d: {  	s0 =	rddreg [dreg:$0x0];
	s2 =	stileid.u32  }
0x3e: {  	s1 =	rddreg [dreg:$0x1];
	p0 =	sne.s32 s2, $0x0  }
0x3f: {  	s3 =	rddreg [dreg:$0x2];
	[bflag:$0x3] =	sbarrier.arrive $0xFFFF;
	s2 =	simm.s32 @!p0 $0x1C01  }
0x40: {  	[timem:s3], [sflag:s2] =	dma.local @!p0 [hbm:s0], s1  }
0x41: {  	s0 =	simm.s32 @!p0 $0x1  }
0x42: {  	_ =	swait.ge @!p0 [sflag:s0], s1  }
0x43: {  	s1 =	ssub.s32 @!p0 $0x0, s1;
	[sflag:s0] =	ssyncset.done @!p0 $0x0  }
0x44: {  	[sflag:s0] =	ssyncadd.s32 @!p0 s1  }
0x45: {  	[bflag:$0x3] =	sbarrier.arrive $0xFFFF  }
0x46: {  	_ =	shalt  }

</sc_bundles>
